<compile_context>
chip_gen: v7x
topology: tpu7x:2x2x1
jax: 0.10.2.dev20260603
libtpu: 0.0.44.dev20260713+nightly
codegen_flags: <defaults>
</compile_context>

<pallas_src>
import functools

import jax
import jax.numpy as jnp
from jax import lax
from jax.experimental import pallas as pl
from jax.experimental.pallas import tpu as pltpu
from jax.experimental.pallas import tpu_sc as plsc

F32 = jnp.float32
EPS = 1e-5
NC, NS = 2, 16
NW = NC * NS



def _sc_gather_xyz(tabs, idxs, P, k):
    n_br = len(tabs)
    per_w = P // NW
    C = min(8192, per_w)
    chunks = per_w // C
    mesh = plsc.VectorSubcoreMesh(core_axis_name="c", subcore_axis_name="s",
                                  num_cores=NC, num_subcores=NS)

    @functools.partial(
        pl.kernel, mesh=mesh,
        out_type=tuple(jax.ShapeDtypeStruct((P, 4), F32) for _ in range(n_br)),
        scratch_types=[pltpu.VMEM((C,), jnp.int32),
                       pltpu.VMEM((C, 4), F32),
                       pltpu.SemaphoreType.DMA],
        compiler_params=pltpu.CompilerParams(use_tc_tiling_on_sc=False),
    )
    def kern(*refs):
        tab_refs = refs[:n_br]
        idx_refs = refs[n_br:2 * n_br]
        out_refs = refs[2 * n_br:3 * n_br]
        idx_v, rows_v, sem = refs[3 * n_br:]
        wid = lax.axis_index("s") * NC + lax.axis_index("c")
        base = wid * per_w
        for tab, idx, out in zip(tab_refs, idx_refs, out_refs):
            for c in range(chunks):
                off = base + c * C
                pltpu.sync_copy(idx.at[pl.ds(off, C)], idx_v)
                pltpu.async_copy(tab.at[idx_v], rows_v, sem).wait()
                pltpu.sync_copy(rows_v, out.at[pl.ds(off, C)])

    return kern(*tabs, *idxs)


def _sc_gather_rows(table, idx, P, D, k):
    per_w = P // NW
    C = min(2048, per_w)
    chunks = per_w // C
    CQ = C // k
    mesh = plsc.VectorSubcoreMesh(core_axis_name="c", subcore_axis_name="s",
                                  num_cores=NC, num_subcores=NS)

    @functools.partial(
        pl.kernel, mesh=mesh,
        out_type=jax.ShapeDtypeStruct((P, D), F32),
        scratch_types=[pltpu.VMEM((C,), jnp.int32),
                       pltpu.VMEM((C, D), F32),
                       pltpu.SemaphoreType.DMA],
        compiler_params=pltpu.CompilerParams(use_tc_tiling_on_sc=False),
    )
    def kern(tab, idxr, out, idx_v, rows_v, sem):
        wid = lax.axis_index("s") * NC + lax.axis_index("c")
        base = wid * per_w
        for c in range(chunks):
            off = base + c * C
            pltpu.sync_copy(idxr.at[pl.ds(off, C)], idx_v)
            pltpu.async_copy(tab.at[idx_v], rows_v, sem).wait()
            pltpu.sync_copy(rows_v, out.at[pl.ds(off, C)])

    return kern(table, idx)



def _dot(x, y):
    return jnp.dot(x, y, preferred_element_type=F32)


def _packed_y(xyz_ref, q_ref, t464, g6416, mbig, sm, mqrep):
    xyz = xyz_ref[...][:, :64]
    q4 = q_ref[...]
    rel = _dot(q4, t464) - xyz
    dist = jnp.sqrt(_dot(rel * rel, g6416))
    return _dot(xyz, mbig) + _dot(dist, sm) + _dot(q4, mqrep)


def _bn_affine(s_row, ss_row, g_row, b_row, count):
    mean = s_row / count
    var = ss_row / count - mean * mean
    a = g_row / jnp.sqrt(var + EPS)
    return a, b_row - a * mean



def _tc_stats(xyz_lb, xyz_sc, xyz_cl, queries, consts, BQ, k):
    QT = 1024
    grid = (BQ // QT,)
    t464, g6416, r10160 = consts["t464"], consts["g6416"], consts["r10160"]

    def body(xlb, xsc, xcl, qref, t4r, g64r, mb_lb, sm_lb, mq_lb,
             mb_sc, sm_sc, mq_sc, mb_cl, sm_cl, mq_cl, out, acc):
        i = pl.program_id(0)

        @pl.when(i == 0)
        def _():
            acc[...] = jnp.zeros_like(acc)

        for br, (xref, mb, sm, mq) in enumerate(
                ((xlb, mb_lb, sm_lb, mq_lb), (xsc, mb_sc, sm_sc, mq_sc),
                 (xcl, mb_cl, sm_cl, mq_cl))):
            y = _packed_y(xref, qref, t4r[...], g64r[...], mb[...], sm[...],
                          mq[...])
            acc[2 * br:2 * br + 1, :] += jnp.sum(y, axis=0, keepdims=True)
            acc[2 * br + 1:2 * br + 2, :] += jnp.sum(y * y, axis=0,
                                                     keepdims=True)

        @pl.when(i == grid[0] - 1)
        def _():
            out[...] = acc[...]

    xyz_spec = pl.BlockSpec((QT, 4 * k), lambda i: (i, 0))
    c = lambda shp: pl.BlockSpec(shp, lambda i: (0, 0))
    return pl.pallas_call(
        body,
        grid=grid,
        in_specs=[xyz_spec, xyz_spec, xyz_spec,
                  pl.BlockSpec((QT, 4), lambda i: (i, 0)),
                  c((4, 64)), c((64, 16)),
                  c((64, 160)), c((16, 160)), c((4, 160)),
                  c((64, 160)), c((16, 160)), c((4, 160)),
                  c((64, 160)), c((16, 160)), c((4, 160))],
        out_specs=pl.BlockSpec((8, 160), lambda i: (0, 0)),
        out_shape=jax.ShapeDtypeStruct((8, 160), F32),
        scratch_shapes=[pltpu.VMEM((8, 160), F32)],
    )(xyz_lb, xyz_sc, xyz_cl, queries,
      t464, g6416,
      consts["mb_lb"], consts["sm_lb"], consts["mq_lb"],
      consts["mb_sc"], consts["sm_sc"], consts["mq_sc"],
      consts["mb_cl"], consts["sm_cl"], consts["mq_cl"])



def _tc_affine(stats, rfold, gs, bs, P):
    def body(st, rf, g_lb, g_sc, g_cl, b_lb, b_sc, b_cl, out):
        grefs = (g_lb, g_sc, g_cl)
        brefs = (b_lb, b_sc, b_cl)
        for br in range(3):
            sy = _dot(st[2 * br:2 * br + 1, :], rf[...])
            syy = _dot(st[2 * br + 1:2 * br + 2, :], rf[...])
            a, b = _bn_affine(sy, syy, grefs[br][...], brefs[br][...], P)
            out[2 * br:2 * br + 1, :10] = a
            out[2 * br + 1:2 * br + 2, :10] = b

    return pl.pallas_call(
        body,
        in_specs=[pl.BlockSpec((8, 160), lambda: (0, 0)),
                  pl.BlockSpec((160, 10), lambda: (0, 0)),
                  *([pl.BlockSpec((1, 10), lambda: (0, 0))] * 6)],
        out_specs=pl.BlockSpec((8, 16), lambda: (0, 0)),
        out_shape=jax.ShapeDtypeStruct((8, 16), F32),
    )(stats, rfold, *gs, *bs)



def _tc_main(xyz_lb, xyz_sc, queries, feats_lb, feats_sc, aff, consts,
             fc_W1p, mlp_W1p, BQ, k):
    QT = 256
    grid = (BQ // QT,)
    d1 = 42

    def body(xlb, xsc, qref, flb, fsc, af, t4r, g64r, r10r,
             mb_lb, sm_lb, mq_lb, mb_sc, sm_sc, mq_sc,
             fc1, mlp1, z1_out, st_out, acc):
        i = pl.program_id(0)

        @pl.when(i == 0)
        def _():
            acc[...] = jnp.zeros_like(acc)

        parts = []
        for br, (xref, mb, sm, mq, fref) in enumerate(
                ((xlb, mb_lb, sm_lb, mq_lb, flb),
                 (xsc, mb_sc, sm_sc, mq_sc, fsc))):
            y = _packed_y(xref, qref, t4r[...], g64r[...], mb[...], sm[...],
                          mq[...])
            a_rep = _dot(af[2 * br:2 * br + 1, :10], r10r[...])
            b_rep = _dot(af[2 * br + 1:2 * br + 2, :10], r10r[...])
            f10 = jax.nn.relu(y * a_rep + b_rep)
            f10_3 = f10.reshape(QT, k, 10)
            parts.append(jnp.concatenate([fref[...], f10_3], axis=-1))
        f = jnp.concatenate(parts, axis=1)
        w2 = 2 * k
        att = lax.dot_general(f.reshape(QT * w2, d1), fc1[...],
                              (((1,), (1,)), ((), ())),
                              preferred_element_type=F32).reshape(QT, w2, d1)
        e = jnp.exp(att)
        s = jnp.sum(e, axis=1)
        num = jnp.sum(f * e, axis=1)
        f_agg = num / s
        z1 = lax.dot_general(f_agg, mlp1[...], (((1,), (1,)), ((), ())),
                             preferred_element_type=F32)
        z1_out[...] = z1
        acc[0:1, :] += jnp.sum(z1, axis=0, keepdims=True)
        acc[1:2, :] += jnp.sum(z1 * z1, axis=0, keepdims=True)

        @pl.when(i == grid[0] - 1)
        def _():
            st_out[...] = acc[...]

    xyz_spec = pl.BlockSpec((QT, 4 * k), lambda i: (i, 0))
    f_spec = pl.BlockSpec((QT, k, 32), lambda i: (i, 0, 0))
    c = lambda shp: pl.BlockSpec(shp, lambda i: (0, 0))
    return pl.pallas_call(
        body,
        grid=grid,
        in_specs=[xyz_spec, xyz_spec,
                  pl.BlockSpec((QT, 4), lambda i: (i, 0)),
                  f_spec, f_spec, c((8, 16)),
                  c((4, 64)), c((64, 16)), c((10, 160)),
                  c((64, 160)), c((16, 160)), c((4, 160)),
                  c((64, 160)), c((16, 160)), c((4, 160)),
                  c((d1, d1)), c((32, d1))],
        out_specs=[pl.BlockSpec((QT, 32), lambda i: (i, 0)),
                   pl.BlockSpec((8, 32), lambda i: (0, 0))],
        out_shape=[jax.ShapeDtypeStruct((BQ, 32), F32),
                   jax.ShapeDtypeStruct((8, 32), F32)],
        scratch_shapes=[pltpu.VMEM((8, 32), F32)],
    )(xyz_lb, xyz_sc, queries, feats_lb, feats_sc, aff,
      consts["t464"], consts["g6416"], consts["r10160"],
      consts["mb_lb"], consts["sm_lb"], consts["mq_lb"],
      consts["mb_sc"], consts["sm_sc"], consts["mq_sc"],
      fc_W1p, mlp_W1p)



def _tc_final(xyz_cl, queries, gath_z1, aff, z1_stats, consts,
              g1, b1, fc_W2p, mlp_W2p, BQ, k):
    QT = 256
    grid = (BQ // QT,)
    d1 = 42

    def body(xcl, qref, gz1, af, st1, t4r, g64r, r10r,
             mb_cl, sm_cl, mq_cl, g1r, b1r, fc2, mlp2, z2_out, st_out, acc):
        i = pl.program_id(0)

        @pl.when(i == 0)
        def _():
            acc[...] = jnp.zeros_like(acc)

        y = _packed_y(xcl, qref, t4r[...], g64r[...], mb_cl[...], sm_cl[...],
                      mq_cl[...])
        a_rep = _dot(af[4:5, :10], r10r[...])
        b_rep = _dot(af[5:6, :10], r10r[...])
        f10_3 = jax.nn.relu(y * a_rep + b_rep).reshape(QT, k, 10)
        a1, b1o = _bn_affine(st1[0:1, :], st1[1:2, :], g1r[...], b1r[...],
                             float(BQ))
        fcl = jax.nn.relu(gz1[...] * a1[None] + b1o[None])
        f3 = jnp.concatenate([fcl, f10_3], axis=-1)
        att = lax.dot_general(f3.reshape(QT * k, d1), fc2[...],
                              (((1,), (1,)), ((), ())),
                              preferred_element_type=F32).reshape(QT, k, d1)
        e = jnp.exp(att)
        s = jnp.sum(e, axis=1)
        num = jnp.sum(f3 * e, axis=1)
        f_agg = num / s
        z2 = lax.dot_general(f_agg, mlp2[...], (((1,), (1,)), ((), ())),
                             preferred_element_type=F32)
        z2_out[...] = z2
        acc[0:1, :] += jnp.sum(z2, axis=0, keepdims=True)
        acc[1:2, :] += jnp.sum(z2 * z2, axis=0, keepdims=True)

        @pl.when(i == grid[0] - 1)
        def _():
            st_out[...] = acc[...]

    c = lambda shp: pl.BlockSpec(shp, lambda i: (0, 0))
    return pl.pallas_call(
        body,
        grid=grid,
        in_specs=[pl.BlockSpec((QT, 4 * k), lambda i: (i, 0)),
                  pl.BlockSpec((QT, 4), lambda i: (i, 0)),
                  pl.BlockSpec((QT, k, 32), lambda i: (i, 0, 0)),
                  c((8, 16)), c((8, 32)),
                  c((4, 64)), c((64, 16)), c((10, 160)),
                  c((64, 160)), c((16, 160)), c((4, 160)),
                  c((1, 32)), c((1, 32)),
                  c((d1, d1)), c((32, d1))],
        out_specs=[pl.BlockSpec((QT, 32), lambda i: (i, 0)),
                   pl.BlockSpec((8, 32), lambda i: (0, 0))],
        out_shape=[jax.ShapeDtypeStruct((BQ, 32), F32),
                   jax.ShapeDtypeStruct((8, 32), F32)],
        scratch_shapes=[pltpu.VMEM((8, 32), F32)],
    )(xyz_cl, queries, gath_z1, aff, z1_stats,
      consts["t464"], consts["g6416"], consts["r10160"],
      consts["mb_cl"], consts["sm_cl"], consts["mq_cl"],
      g1, b1, fc_W2p, mlp_W2p)



def _tc_out(z2, z2_stats, g2, b2, BQ):
    QT = 1024
    grid = (BQ // QT,)

    def body(z2r, st2, g2r, b2r, out):
        a2, b2o = _bn_affine(st2[0:1, :], st2[1:2, :], g2r[...], b2r[...],
                             float(BQ))
        out[...] = jax.nn.relu(z2r[...] * a2 + b2o)

    return pl.pallas_call(
        body,
        grid=grid,
        in_specs=[pl.BlockSpec((QT, 32), lambda i: (i, 0)),
                  pl.BlockSpec((8, 32), lambda i: (0, 0)),
                  pl.BlockSpec((1, 32), lambda i: (0, 0)),
                  pl.BlockSpec((1, 32), lambda i: (0, 0))],
        out_specs=pl.BlockSpec((QT, 32), lambda i: (i, 0)),
        out_shape=jax.ShapeDtypeStruct((BQ, 32), F32),
    )(z2, z2_stats, g2, b2)



def kernel(features_lb, features_sc, NM_lb, NM_sc, coords_lb, coords_sc,
           coords_queries, NM_cl, W_lb, g_lb, b_lb, W_sc, g_sc, b_sc,
           fc_W1, mlp_W1, g1, b1, W_cl, g_cl, b_cl, fc_W2, mlp_W2, g2, b2):
    B, Q, k = NM_lb.shape
    N_down = coords_lb.shape[1]
    N_skip = coords_sc.shape[1]
    BQ = B * Q
    P = BQ * k

    def flat_idx(nm, n):
        off = (jnp.arange(B, dtype=jnp.int32) * n)[:, None, None]
        return (nm.astype(jnp.int32) + off).reshape(P)

    def pad4(c):
        return jnp.pad(c.reshape(-1, 3), ((0, 0), (0, 1)))

    idx_lb = flat_idx(NM_lb, N_down)
    idx_sc = flat_idx(NM_sc, N_skip)
    idx_cl = flat_idx(NM_cl, Q)
    tab_lb, tab_sc, tab_q = pad4(coords_lb), pad4(coords_sc), pad4(coords_queries)

    xyz_lb, xyz_sc, xyz_cl = _sc_gather_xyz(
        (tab_lb, tab_sc, tab_q), (idx_lb, idx_sc, idx_cl), P, k)
    xyz_lb = xyz_lb.reshape(BQ, 4 * k)
    xyz_sc = xyz_sc.reshape(BQ, 4 * k)
    xyz_cl = xyz_cl.reshape(BQ, 4 * k)
    queries = tab_q

    i4, i10, i16 = jnp.eye(4, dtype=F32), jnp.eye(10, dtype=F32), jnp.eye(16, dtype=F32)
    ones16r = jnp.ones((1, k), F32)
    consts = {
        "t464": jnp.kron(ones16r, i4).reshape(4, 4 * k),
        "g6416": jnp.kron(i16, jnp.ones((4, 1), F32)),
        "r10160": jnp.kron(ones16r, i10).reshape(10, 10 * k),
        "r32512": jnp.kron(ones16r, jnp.eye(32, dtype=F32)).reshape(32, 32 * k),
    }
    s1664 = jnp.kron(i16, jnp.concatenate(
        [jnp.zeros((1, 3), F32), jnp.ones((1, 1), F32)], axis=1))

    def mnmq(w, tag):
        mn = jnp.concatenate([w[:, 7:10] - w[:, 1:4], w[:, 0:1]], axis=1).T
        mq = jnp.concatenate([w[:, 1:4] + w[:, 4:7],
                              jnp.zeros((10, 1), F32)], axis=1).T
        mbig = jnp.kron(i16, mn)
        consts["mb_" + tag] = mbig
        consts["sm_" + tag] = s1664 @ mbig
        consts["mq_" + tag] = mq @ consts["r10160"]

    mnmq(W_lb, "lb")
    mnmq(W_sc, "sc")
    mnmq(W_cl, "cl")
    rfold = jnp.kron(jnp.ones((k, 1), F32), i10)

    perm = jnp.concatenate([jnp.arange(10, 42), jnp.arange(10)])
    fc_W1p = fc_W1[perm][:, perm]
    mlp_W1p = mlp_W1[:, perm]
    fc_W2p = fc_W2[perm][:, perm]
    mlp_W2p = mlp_W2[:, perm]

    r1 = lambda v: v.reshape(1, -1)
    stats = _tc_stats(xyz_lb, xyz_sc, xyz_cl, queries, consts, BQ, k)
    aff = _tc_affine(stats, rfold,
                     (r1(g_lb), r1(g_sc), r1(g_cl)),
                     (r1(b_lb), r1(b_sc), r1(b_cl)), float(P))

    z1, z1_stats = _tc_main(
        xyz_lb, xyz_sc, queries,
        features_lb.reshape(BQ, k, -1), features_sc.reshape(BQ, k, -1),
        aff, consts, fc_W1p, mlp_W1p, BQ, k)

    gath_z1 = _sc_gather_rows(z1, idx_cl, P, 32, k).reshape(BQ, k, 32)

    z2, z2_stats = _tc_final(
        xyz_cl, queries, gath_z1, aff, z1_stats, consts,
        r1(g1), r1(b1), fc_W2p, mlp_W2p, BQ, k)

    out = _tc_out(z2, z2_stats, r1(g2), r1(b2), BQ)
    return jnp.transpose(out.reshape(B, Q, 32), (0, 2, 1))[:, :, :, None]

# --- scband reference (transcript-rebuilt; emitter-appended) ---
"""Pipeline reference for scband-decoder-lfa-4217657885150 (READ-ONLY COPY).

The authoritative reference and input builder live on the scoring server;
editing this copy changes nothing except your own understanding.
"""

import jax, jax.numpy as jnp
import numpy as np


def gather_neighbour(pc, neighbor_idx):
    B, Q, k = neighbor_idx.shape
    d = pc.shape[2]
    idx = neighbor_idx.reshape(B, Q * k)
    feats = jnp.take_along_axis(pc, idx[:, :, None], axis=1)
    return feats.reshape(B, Q, k, d)


def dec_relative_pos_encoding(xyz_new, xyz_src, neigh_idx):
    neighbor_xyz = gather_neighbour(xyz_src, neigh_idx)
    xyz_tile = jnp.repeat(xyz_new[:, :, None, :], neigh_idx.shape[-1], axis=2)
    relative_xyz = xyz_tile - neighbor_xyz
    relative_dis = jnp.sqrt(jnp.sum(relative_xyz ** 2, axis=-1, keepdims=True))
    return jnp.concatenate([relative_dis, relative_xyz, xyz_tile, neighbor_xyz], axis=-1)


def conv_bn_relu(x, W, gamma, beta, eps=1e-5):
    # 1x1 conv (no bias, since bn=True) + BatchNorm2d (training-mode batch stats) + ReLU
    y = jnp.einsum('bchw,oc->bohw', x, W)
    mean = jnp.mean(y, axis=(0, 2, 3), keepdims=True)
    var = jnp.var(y, axis=(0, 2, 3), keepdims=True)
    yhat = (y - mean) / jnp.sqrt(var + eps)
    y = gamma[None, :, None, None] * yhat + beta[None, :, None, None]
    return jax.nn.relu(y)


def att_pooling(fset, fc_W, mlp_W, gamma, beta):
    att = jnp.einsum('bchw,oc->bohw', fset, fc_W)  # fc, bias=False
    scores = jax.nn.softmax(att, axis=3)
    f_agg = jnp.sum(fset * scores, axis=3, keepdims=True)
    return conv_bn_relu(f_agg, mlp_W, gamma, beta)


def setup_inputs(seed: int = 0) -> dict:
    key = jax.random.key(seed)
    ks = jax.random.split(key, 20)
    B, Q, k = 2, 8192, 16
    N_down, N_skip = 2048, 8192
    dim_lb, dim_sc, dim_nl = 32, 32, 32
    inp = {}
    inp['features_lb'] = jax.random.normal(ks[0], (B, Q, k, dim_lb), dtype=jnp.float32)
    inp['features_sc'] = jax.random.normal(ks[1], (B, Q, k, dim_sc), dtype=jnp.float32)
    inp['NM_lb'] = jax.random.randint(ks[2], (B, Q, k), 0, N_down)
    inp['NM_sc'] = jax.random.randint(ks[3], (B, Q, k), 0, N_skip)
    inp['coords_lb'] = jax.random.normal(ks[4], (B, N_down, 3), dtype=jnp.float32)
    inp['coords_sc'] = jax.random.normal(ks[5], (B, N_skip, 3), dtype=jnp.float32)
    inp['coords_queries'] = jax.random.normal(ks[6], (B, Q, 3), dtype=jnp.float32)
    inp['NM_cl'] = jax.random.randint(ks[7], (B, Q, k), 0, Q)
    # parameters
    inp['W_lb'] = jax.random.normal(ks[8], (10, 10), dtype=jnp.float32) * 0.1
    inp['g_lb'] = jnp.ones((10,), jnp.float32)
    inp['b_lb'] = jnp.zeros((10,), jnp.float32)
    inp['W_sc'] = jax.random.normal(ks[9], (dim_lb + 10 - dim_sc, 10), dtype=jnp.float32) * 0.1
    inp['g_sc'] = jnp.ones((dim_lb + 10 - dim_sc,), jnp.float32)
    inp['b_sc'] = jnp.zeros((dim_lb + 10 - dim_sc,), jnp.float32)
    d_in1 = dim_lb + 10
    inp['fc_W1'] = jax.random.normal(ks[10], (d_in1, d_in1), dtype=jnp.float32) * 0.1
    inp['mlp_W1'] = jax.random.normal(ks[11], (dim_nl, d_in1), dtype=jnp.float32) * 0.1
    inp['g1'] = jnp.ones((dim_nl,), jnp.float32)
    inp['b1'] = jnp.zeros((dim_nl,), jnp.float32)
    inp['W_cl'] = jax.random.normal(ks[12], (10, 10), dtype=jnp.float32) * 0.1
    inp['g_cl'] = jnp.ones((10,), jnp.float32)
    inp['b_cl'] = jnp.zeros((10,), jnp.float32)
    d_in2 = dim_nl + 10
    inp['fc_W2'] = jax.random.normal(ks[13], (d_in2, d_in2), dtype=jnp.float32) * 0.1
    inp['mlp_W2'] = jax.random.normal(ks[14], (dim_nl, d_in2), dtype=jnp.float32) * 0.1
    inp['g2'] = jnp.ones((dim_nl,), jnp.float32)
    inp['b2'] = jnp.zeros((dim_nl,), jnp.float32)
    return inp


def reference(features_lb, features_sc, NM_lb, NM_sc, coords_lb, coords_sc, coords_queries, NM_cl,
              W_lb, g_lb, b_lb, W_sc, g_sc, b_sc, fc_W1, mlp_W1, g1, b1,
              W_cl, g_cl, b_cl, fc_W2, mlp_W2, g2, b2):
    rppe_lb = dec_relative_pos_encoding(coords_queries, coords_lb, NM_lb)
    rppe_lb = jnp.transpose(rppe_lb, (0, 3, 1, 2))
    rppe_lb = conv_bn_relu(rppe_lb, W_lb, g_lb, b_lb)
    rppe_sc = dec_relative_pos_encoding(coords_queries, coords_sc, NM_sc)
    rppe_sc = jnp.transpose(rppe_sc, (0, 3, 1, 2))
    rppe_sc = conv_bn_relu(rppe_sc, W_sc, g_sc, b_sc)
    rppe_lb = jnp.transpose(rppe_lb, (0, 2, 3, 1))
    locSE_lb = jnp.concatenate([rppe_lb, features_lb], axis=3)
    rppe_sc = jnp.transpose(rppe_sc, (0, 2, 3, 1))
    locSE_sc = jnp.concatenate([rppe_sc, features_sc], axis=3)
    f_hat = jnp.concatenate([locSE_lb, locSE_sc], axis=2)
    f_hat = jnp.transpose(f_hat, (0, 3, 1, 2))
    f_tilde = att_pooling(f_hat, fc_W1, mlp_W1, g1, b1)
    # num_agg > 1 branch
    rppe_cl = dec_relative_pos_encoding(coords_queries, coords_queries, NM_cl)
    rppe_cl = jnp.transpose(rppe_cl, (0, 3, 1, 2))
    rppe_cl = conv_bn_relu(rppe_cl, W_cl, g_cl, b_cl)
    feats_cl = gather_neighbour(jnp.squeeze(jnp.transpose(f_tilde, (0, 2, 1, 3)), axis=3), NM_cl)
    rppe_cl = jnp.transpose(rppe_cl, (0, 2, 3, 1))
    locSE_cl = jnp.concatenate([rppe_cl, feats_cl], axis=3)
    locSE_cl = jnp.transpose(locSE_cl, (0, 3, 1, 2))
    f_tilde = att_pooling(locSE_cl, fc_W2, mlp_W2, g2, b2)
    return f_tilde

if __name__ == "__main__":
    import jax
    _d = setup_inputs()
    print(jax.jit(kernel)(*tuple(_d.values())))

</pallas_src>

<mosaic_0001>
#map = affine_map<(d0, d1) -> (0, 0)>
#map1 = affine_map<(d0, d1) -> (0)>
module attributes {stable_mosaic.version = 14 : i64} {
  func.func @kern(%arg0: i32, %arg1: i32, %arg2: memref<4096x4xf32, #tpu.memory_space<hbm>>, %arg3: memref<16384x4xf32, #tpu.memory_space<hbm>>, %arg4: memref<16384x4xf32, #tpu.memory_space<hbm>>, %arg5: memref<262144xi32, #tpu.memory_space<hbm>>, %arg6: memref<262144xi32, #tpu.memory_space<hbm>>, %arg7: memref<262144xi32, #tpu.memory_space<hbm>>, %arg8: memref<262144x4xf32, #tpu.memory_space<hbm>>, %arg9: memref<262144x4xf32, #tpu.memory_space<hbm>>, %arg10: memref<262144x4xf32, #tpu.memory_space<hbm>>, %arg11: memref<8192xi32, #tpu.memory_space<vmem>>, %arg12: memref<8192x4xf32, #tpu.memory_space<vmem>>, %arg13: memref<!tpu.dma_semaphore, #tpu.memory_space<semaphore_mem>>) attributes {dimension_semantics = [#tpu.dimension_semantics<core_parallel>, #tpu.dimension_semantics<subcore_parallel>], iteration_bounds = array<i64: 2, 16>, scalar_prefetch = 0 : i64, scratch_operands = 3 : i64, tpu.core_type = #tpu.core_type<sc_vector_subcore>, window_params = [{transform_indices = #map}, {transform_indices = #map}, {transform_indices = #map}, {transform_indices = #map1}, {transform_indices = #map1}, {transform_indices = #map1}, {transform_indices = #map}, {transform_indices = #map}, {transform_indices = #map}]} {
    %mul3A = arith.constant 2 : i32
    %mul3A_0 = arith.muli %arg1, %mul3A : i32
    %add3A = arith.addi %mul3A_0, %arg0 : i32
    %mul3A_1 = arith.constant 8192 : i32
    %mul3A_2 = arith.muli %add3A, %mul3A_1 : i32
    %add3A_3 = arith.constant 0 : i32
    %add3A_4 = arith.addi %mul3A_2, %add3A_3 : i32
    "tpu.region"() ({
      %run_scoped3A = tpu.sem_alloc : memref<!tpu.dma_semaphore, #tpu.memory_space<semaphore_mem>>
      %dma_start3A_25 = tpu.memref_slice %arg5[%add3A_4] : memref<262144xi32, #tpu.memory_space<hbm>> -> memref<8192xi32, #tpu.memory_space<hbm>>
      %dma_start3A_26 = tpu.memref_slice %arg5[%add3A_4] : memref<262144xi32, #tpu.memory_space<hbm>> -> memref<8192xi32, #tpu.memory_space<hbm>>
      tpu.enqueue_dma source(%dma_start3A_26 : memref<8192xi32, #tpu.memory_space<hbm>>) target(%arg11 : memref<8192xi32, #tpu.memory_space<vmem>>) target_semaphore(%run_scoped3A : memref<!tpu.dma_semaphore, #tpu.memory_space<semaphore_mem>>)
      %dma_wait3A_27 = tpu.memref_slice %arg5[%add3A_4] : memref<262144xi32, #tpu.memory_space<hbm>> -> memref<8192xi32, #tpu.memory_space<hbm>>
      %dma_wait3A_28 = tpu.memref_slice %arg5[%add3A_4] : memref<262144xi32, #tpu.memory_space<hbm>> -> memref<8192xi32, #tpu.memory_space<hbm>>
      tpu.wait_dma2 semaphore(%run_scoped3A : memref<!tpu.dma_semaphore, #tpu.memory_space<semaphore_mem>>) src(%dma_wait3A_28 : memref<8192xi32, #tpu.memory_space<hbm>>) dst(%arg11 : memref<8192xi32, #tpu.memory_space<vmem>>)
      tpu.yield
    }) : () -> ()
    %dma_start3A = arith.constant 0 : i32
    %dma_start3A_5 = arith.constant 0 : i32
    %dma_start3A_6 = tpu.memref_slice %arg2[%dma_start3A, %dma_start3A_5] : memref<4096x4xf32, #tpu.memory_space<hbm>> -> memref<4096x4xf32, #tpu.memory_space<hbm>>
    tpu.enqueue_indirect_dma source(%dma_start3A_6 : memref<4096x4xf32, #tpu.memory_space<hbm>>) target(%arg12 : memref<8192x4xf32, #tpu.memory_space<vmem>>) offsets(%arg11 : memref<8192xi32, #tpu.memory_space<vmem>>) semaphore(%arg13 : memref<!tpu.dma_semaphore, #tpu.memory_space<semaphore_mem>>)
    %dma_wait3A = arith.constant 0 : i32
    %dma_wait3A_7 = arith.constant 0 : i32
    %dma_wait3A_8 = tpu.memref_slice %arg2[%dma_wait3A, %dma_wait3A_7] : memref<4096x4xf32, #tpu.memory_space<hbm>> -> memref<4096x4xf32, #tpu.memory_space<hbm>>
    tpu.wait_indirect_dma semaphore(%arg13 : memref<!tpu.dma_semaphore, #tpu.memory_space<semaphore_mem>>) src(%dma_wait3A_8 : memref<4096x4xf32, #tpu.memory_space<hbm>>) dst(%arg12 : memref<8192x4xf32, #tpu.memory_space<vmem>>)
    "tpu.region"() ({
      %run_scoped3A = tpu.sem_alloc : memref<!tpu.dma_semaphore, #tpu.memory_space<semaphore_mem>>
      %dma_start3A_25 = arith.constant 0 : i32
      %dma_start3A_26 = tpu.memref_slice %arg8[%add3A_4, %dma_start3A_25] : memref<262144x4xf32, #tpu.memory_space<hbm>> -> memref<8192x4xf32, #tpu.memory_space<hbm>>
      %dma_start3A_27 = arith.constant 0 : i32
      %dma_start3A_28 = tpu.memref_slice %arg8[%add3A_4, %dma_start3A_27] : memref<262144x4xf32, #tpu.memory_space<hbm>> -> memref<8192x4xf32, #tpu.memory_space<hbm>>
      tpu.enqueue_dma source(%arg12 : memref<8192x4xf32, #tpu.memory_space<vmem>>) target(%dma_start3A_28 : memref<8192x4xf32, #tpu.memory_space<hbm>>) target_semaphore(%run_scoped3A : memref<!tpu.dma_semaphore, #tpu.memory_space<semaphore_mem>>)
      %dma_wait3A_29 = arith.constant 0 : i32
      %dma_wait3A_30 = tpu.memref_slice %arg8[%add3A_4, %dma_wait3A_29] : memref<262144x4xf32, #tpu.memory_space<hbm>> -> memref<8192x4xf32, #tpu.memory_space<hbm>>
      %dma_wait3A_31 = arith.constant 0 : i32
      %dma_wait3A_32 = tpu.memref_slice %arg8[%add3A_4, %dma_wait3A_31] : memref<262144x4xf32, #tpu.memory_space<hbm>> -> memref<8192x4xf32, #tpu.memory_space<hbm>>
      tpu.wait_dma2 semaphore(%run_scoped3A : memref<!tpu.dma_semaphore, #tpu.memory_space<semaphore_mem>>) src(%arg12 : memref<8192x4xf32, #tpu.memory_space<vmem>>) dst(%dma_wait3A_32 : memref<8192x4xf32, #tpu.memory_space<hbm>>)
      tpu.yield
    }) : () -> ()
    %add3A_9 = arith.constant 0 : i32
    %add3A_10 = arith.addi %mul3A_2, %add3A_9 : i32
    "tpu.region"() ({
      %run_scoped3A = tpu.sem_alloc : memref<!tpu.dma_semaphore, #tpu.memory_space<semaphore_mem>>
      %dma_start3A_25 = tpu.memref_slice %arg6[%add3A_10] : memref<262144xi32, #tpu.memory_space<hbm>> -> memref<8192xi32, #tpu.memory_space<hbm>>
      %dma_start3A_26 = tpu.memref_slice %arg6[%add3A_10] : memref<262144xi32, #tpu.memory_space<hbm>> -> memref<8192xi32, #tpu.memory_space<hbm>>
      tpu.enqueue_dma source(%dma_start3A_26 : memref<8192xi32, #tpu.memory_space<hbm>>) target(%arg11 : memref<8192xi32, #tpu.memory_space<vmem>>) target_semaphore(%run_scoped3A : memref<!tpu.dma_semaphore, #tpu.memory_space<semaphore_mem>>)
      %dma_wait3A_27 = tpu.memref_slice %arg6[%add3A_10] : memref<262144xi32, #tpu.memory_space<hbm>> -> memref<8192xi32, #tpu.memory_space<hbm>>
      %dma_wait3A_28 = tpu.memref_slice %arg6[%add3A_10] : memref<262144xi32, #tpu.memory_space<hbm>> -> memref<8192xi32, #tpu.memory_space<hbm>>
      tpu.wait_dma2 semaphore(%run_scoped3A : memref<!tpu.dma_semaphore, #tpu.memory_space<semaphore_mem>>) src(%dma_wait3A_28 : memref<8192xi32, #tpu.memory_space<hbm>>) dst(%arg11 : memref<8192xi32, #tpu.memory_space<vmem>>)
      tpu.yield
    }) : () -> ()
    %dma_start3A_11 = arith.constant 0 : i32
    %dma_start3A_12 = arith.constant 0 : i32
    %dma_start3A_13 = tpu.memref_slice %arg3[%dma_start3A_11, %dma_start3A_12] : memref<16384x4xf32, #tpu.memory_space<hbm>> -> memref<16384x4xf32, #tpu.memory_space<hbm>>
    tpu.enqueue_indirect_dma source(%dma_start3A_13 : memref<16384x4xf32, #tpu.memory_space<hbm>>) target(%arg12 : memref<8192x4xf32, #tpu.memory_space<vmem>>) offsets(%arg11 : memref<8192xi32, #tpu.memory_space<vmem>>) semaphore(%arg13 : memref<!tpu.dma_semaphore, #tpu.memory_space<semaphore_mem>>)
    %dma_wait3A_14 = arith.constant 0 : i32
    %dma_wait3A_15 = arith.constant 0 : i32
    %dma_wait3A_16 = tpu.memref_slice %arg3[%dma_wait3A_14, %dma_wait3A_15] : memref<16384x4xf32, #tpu.memory_space<hbm>> -> memref<16384x4xf32, #tpu.memory_space<hbm>>
    tpu.wait_indirect_dma semaphore(%arg13 : memref<!tpu.dma_semaphore, #tpu.memory_space<semaphore_mem>>) src(%dma_wait3A_16 : memref<16384x4xf32, #tpu.memory_space<hbm>>) dst(%arg12 : memref<8192x4xf32, #tpu.memory_space<vmem>>)
    "tpu.region"() ({
      %run_scoped3A = tpu.sem_alloc : memref<!tpu.dma_semaphore, #tpu.memory_space<semaphore_mem>>
      %dma_start3A_25 = arith.constant 0 : i32
      %dma_start3A_26 = tpu.memref_slice %arg9[%add3A_10, %dma_start3A_25] : memref<262144x4xf32, #tpu.memory_space<hbm>> -> memref<8192x4xf32, #tpu.memory_space<hbm>>
      %dma_start3A_27 = arith.constant 0 : i32
      %dma_start3A_28 = tpu.memref_slice %arg9[%add3A_10, %dma_start3A_27] : memref<262144x4xf32, #tpu.memory_space<hbm>> -> memref<8192x4xf32, #tpu.memory_space<hbm>>
      tpu.enqueue_dma source(%arg12 : memref<8192x4xf32, #tpu.memory_space<vmem>>) target(%dma_start3A_28 : memref<8192x4xf32, #tpu.memory_space<hbm>>) target_semaphore(%run_scoped3A : memref<!tpu.dma_semaphore, #tpu.memory_space<semaphore_mem>>)
      %dma_wait3A_29 = arith.constant 0 : i32
      %dma_wait3A_30 = tpu.memref_slice %arg9[%add3A_10, %dma_wait3A_29] : memref<262144x4xf32, #tpu.memory_space<hbm>> -> memref<8192x4xf32, #tpu.memory_space<hbm>>
      %dma_wait3A_31 = arith.constant 0 : i32
      %dma_wait3A_32 = tpu.memref_slice %arg9[%add3A_10, %dma_wait3A_31] : memref<262144x4xf32, #tpu.memory_space<hbm>> -> memref<8192x4xf32, #tpu.memory_space<hbm>>
      tpu.wait_dma2 semaphore(%run_scoped3A : memref<!tpu.dma_semaphore, #tpu.memory_space<semaphore_mem>>) src(%arg12 : memref<8192x4xf32, #tpu.memory_space<vmem>>) dst(%dma_wait3A_32 : memref<8192x4xf32, #tpu.memory_space<hbm>>)
      tpu.yield
    }) : () -> ()
    %add3A_17 = arith.constant 0 : i32
    %add3A_18 = arith.addi %mul3A_2, %add3A_17 : i32
    "tpu.region"() ({
      %run_scoped3A = tpu.sem_alloc : memref<!tpu.dma_semaphore, #tpu.memory_space<semaphore_mem>>
      %dma_start3A_25 = tpu.memref_slice %arg7[%add3A_18] : memref<262144xi32, #tpu.memory_space<hbm>> -> memref<8192xi32, #tpu.memory_space<hbm>>
      %dma_start3A_26 = tpu.memref_slice %arg7[%add3A_18] : memref<262144xi32, #tpu.memory_space<hbm>> -> memref<8192xi32, #tpu.memory_space<hbm>>
      tpu.enqueue_dma source(%dma_start3A_26 : memref<8192xi32, #tpu.memory_space<hbm>>) target(%arg11 : memref<8192xi32, #tpu.memory_space<vmem>>) target_semaphore(%run_scoped3A : memref<!tpu.dma_semaphore, #tpu.memory_space<semaphore_mem>>)
      %dma_wait3A_27 = tpu.memref_slice %arg7[%add3A_18] : memref<262144xi32, #tpu.memory_space<hbm>> -> memref<8192xi32, #tpu.memory_space<hbm>>
      %dma_wait3A_28 = tpu.memref_slice %arg7[%add3A_18] : memref<262144xi32, #tpu.memory_space<hbm>> -> memref<8192xi32, #tpu.memory_space<hbm>>
      tpu.wait_dma2 semaphore(%run_scoped3A : memref<!tpu.dma_semaphore, #tpu.memory_space<semaphore_mem>>) src(%dma_wait3A_28 : memref<8192xi32, #tpu.memory_space<hbm>>) dst(%arg11 : memref<8192xi32, #tpu.memory_space<vmem>>)
      tpu.yield
    }) : () -> ()
    %dma_start3A_19 = arith.constant 0 : i32
    %dma_start3A_20 = arith.constant 0 : i32
    %dma_start3A_21 = tpu.memref_slice %arg4[%dma_start3A_19, %dma_start3A_20] : memref<16384x4xf32, #tpu.memory_space<hbm>> -> memref<16384x4xf32, #tpu.memory_space<hbm>>
    tpu.enqueue_indirect_dma source(%dma_start3A_21 : memref<16384x4xf32, #tpu.memory_space<hbm>>) target(%arg12 : memref<8192x4xf32, #tpu.memory_space<vmem>>) offsets(%arg11 : memref<8192xi32, #tpu.memory_space<vmem>>) semaphore(%arg13 : memref<!tpu.dma_semaphore, #tpu.memory_space<semaphore_mem>>)
    %dma_wait3A_22 = arith.constant 0 : i32
    %dma_wait3A_23 = arith.constant 0 : i32
    %dma_wait3A_24 = tpu.memref_slice %arg4[%dma_wait3A_22, %dma_wait3A_23] : memref<16384x4xf32, #tpu.memory_space<hbm>> -> memref<16384x4xf32, #tpu.memory_space<hbm>>
    tpu.wait_indirect_dma semaphore(%arg13 : memref<!tpu.dma_semaphore, #tpu.memory_space<semaphore_mem>>) src(%dma_wait3A_24 : memref<16384x4xf32, #tpu.memory_space<hbm>>) dst(%arg12 : memref<8192x4xf32, #tpu.memory_space<vmem>>)
    "tpu.region"() ({
      %run_scoped3A = tpu.sem_alloc : memref<!tpu.dma_semaphore, #tpu.memory_space<semaphore_mem>>
      %dma_start3A_25 = arith.constant 0 : i32
      %dma_start3A_26 = tpu.memref_slice %arg10[%add3A_18, %dma_start3A_25] : memref<262144x4xf32, #tpu.memory_space<hbm>> -> memref<8192x4xf32, #tpu.memory_space<hbm>>
      %dma_start3A_27 = arith.constant 0 : i32
      %dma_start3A_28 = tpu.memref_slice %arg10[%add3A_18, %dma_start3A_27] : memref<262144x4xf32, #tpu.memory_space<hbm>> -> memref<8192x4xf32, #tpu.memory_space<hbm>>
      tpu.enqueue_dma source(%arg12 : memref<8192x4xf32, #tpu.memory_space<vmem>>) target(%dma_start3A_28 : memref<8192x4xf32, #tpu.memory_space<hbm>>) target_semaphore(%run_scoped3A : memref<!tpu.dma_semaphore, #tpu.memory_space<semaphore_mem>>)
      %dma_wait3A_29 = arith.constant 0 : i32
      %dma_wait3A_30 = tpu.memref_slice %arg10[%add3A_18, %dma_wait3A_29] : memref<262144x4xf32, #tpu.memory_space<hbm>> -> memref<8192x4xf32, #tpu.memory_space<hbm>>
      %dma_wait3A_31 = arith.constant 0 : i32
      %dma_wait3A_32 = tpu.memref_slice %arg10[%add3A_18, %dma_wait3A_31] : memref<262144x4xf32, #tpu.memory_space<hbm>> -> memref<8192x4xf32, #tpu.memory_space<hbm>>
      tpu.wait_dma2 semaphore(%run_scoped3A : memref<!tpu.dma_semaphore, #tpu.memory_space<semaphore_mem>>) src(%arg12 : memref<8192x4xf32, #tpu.memory_space<vmem>>) dst(%dma_wait3A_32 : memref<8192x4xf32, #tpu.memory_space<hbm>>)
      tpu.yield
    }) : () -> ()
    return
  }
}

#map = affine_map<(d0, d1) -> (0, 0)>
#map1 = affine_map<(d0, d1) -> (0)>
module attributes {stable_mosaic.version = 14 : i64} {
  func.func @kern(%arg0: i32, %arg1: i32, %arg2: memref<16384x32xf32, #tpu.memory_space<hbm>>, %arg3: memref<262144xi32, #tpu.memory_space<hbm>>, %arg4: memref<262144x32xf32, #tpu.memory_space<hbm>>, %arg5: memref<2048xi32, #tpu.memory_space<vmem>>, %arg6: memref<2048x32xf32, #tpu.memory_space<vmem>>, %arg7: memref<!tpu.dma_semaphore, #tpu.memory_space<semaphore_mem>>) attributes {dimension_semantics = [#tpu.dimension_semantics<core_parallel>, #tpu.dimension_semantics<subcore_parallel>], iteration_bounds = array<i64: 2, 16>, scalar_prefetch = 0 : i64, scratch_operands = 3 : i64, tpu.core_type = #tpu.core_type<sc_vector_subcore>, window_params = [{transform_indices = #map}, {transform_indices = #map1}, {transform_indices = #map}]} {
    %mul3A = arith.constant 2 : i32
    %mul3A_0 = arith.muli %arg1, %mul3A : i32
    %add3A = arith.addi %mul3A_0, %arg0 : i32
    %mul3A_1 = arith.constant 8192 : i32
    %mul3A_2 = arith.muli %add3A, %mul3A_1 : i32
    %add3A_3 = arith.constant 0 : i32
    %add3A_4 = arith.addi %mul3A_2, %add3A_3 : i32
    "tpu.region"() ({
      %run_scoped3A = tpu.sem_alloc : memref<!tpu.dma_semaphore, #tpu.memory_space<semaphore_mem>>
      %dma_start3A_33 = tpu.memref_slice %arg3[%add3A_4] : memref<262144xi32, #tpu.memory_space<hbm>> -> memref<2048xi32, #tpu.memory_space<hbm>>
      %dma_start3A_34 = tpu.memref_slice %arg3[%add3A_4] : memref<262144xi32, #tpu.memory_space<hbm>> -> memref<2048xi32, #tpu.memory_space<hbm>>
      tpu.enqueue_dma source(%dma_start3A_34 : memref<2048xi32, #tpu.memory_space<hbm>>) target(%arg5 : memref<2048xi32, #tpu.memory_space<vmem>>) target_semaphore(%run_scoped3A : memref<!tpu.dma_semaphore, #tpu.memory_space<semaphore_mem>>)
      %dma_wait3A_35 = tpu.memref_slice %arg3[%add3A_4] : memref<262144xi32, #tpu.memory_space<hbm>> -> memref<2048xi32, #tpu.memory_space<hbm>>
      %dma_wait3A_36 = tpu.memref_slice %arg3[%add3A_4] : memref<262144xi32, #tpu.memory_space<hbm>> -> memref<2048xi32, #tpu.memory_space<hbm>>
      tpu.wait_dma2 semaphore(%run_scoped3A : memref<!tpu.dma_semaphore, #tpu.memory_space<semaphore_mem>>) src(%dma_wait3A_36 : memref<2048xi32, #tpu.memory_space<hbm>>) dst(%arg5 : memref<2048xi32, #tpu.memory_space<vmem>>)
      tpu.yield
    }) : () -> ()
    %dma_start3A = arith.constant 0 : i32
    %dma_start3A_5 = arith.constant 0 : i32
    %dma_start3A_6 = tpu.memref_slice %arg2[%dma_start3A, %dma_start3A_5] : memref<16384x32xf32, #tpu.memory_space<hbm>> -> memref<16384x32xf32, #tpu.memory_space<hbm>>
    tpu.enqueue_indirect_dma source(%dma_start3A_6 : memref<16384x32xf32, #tpu.memory_space<hbm>>) target(%arg6 : memref<2048x32xf32, #tpu.memory_space<vmem>>) offsets(%arg5 : memref<2048xi32, #tpu.memory_space<vmem>>) semaphore(%arg7 : memref<!tpu.dma_semaphore, #tpu.memory_space<semaphore_mem>>)
    %dma_wait3A = arith.constant 0 : i32
    %dma_wait3A_7 = arith.constant 0 : i32
    %dma_wait3A_8 = tpu.memref_slice %arg2[%dma_wait3A, %dma_wait3A_7] : memref<16384x32xf32, #tpu.memory_space<hbm>> -> memref<16384x32xf32, #tpu.memory_space<hbm>>
    tpu.wait_indirect_dma semaphore(%arg7 : memref<!tpu.dma_semaphore, #tpu.memory_space<semaphore_mem>>) src(%dma_wait3A_8 : memref<16384x32xf32, #tpu.memory_space<hbm>>) dst(%arg6 : memref<2048x32xf32, #tpu.memory_space<vmem>>)
    "tpu.region"() ({
      %run_scoped3A = tpu.sem_alloc : memref<!tpu.dma_semaphore, #tpu.memory_space<semaphore_mem>>
      %dma_start3A_33 = arith.constant 0 : i32
      %dma_start3A_34 = tpu.memref_slice %arg4[%add3A_4, %dma_start3A_33] : memref<262144x32xf32, #tpu.memory_space<hbm>> -> memref<2048x32xf32, #tpu.memory_space<hbm>>
      %dma_start3A_35 = arith.constant 0 : i32
      %dma_start3A_36 = tpu.memref_slice %arg4[%add3A_4, %dma_start3A_35] : memref<262144x32xf32, #tpu.memory_space<hbm>> -> memref<2048x32xf32, #tpu.memory_space<hbm>>
      tpu.enqueue_dma source(%arg6 : memref<2048x32xf32, #tpu.memory_space<vmem>>) target(%dma_start3A_36 : memref<2048x32xf32, #tpu.memory_space<hbm>>) target_semaphore(%run_scoped3A : memref<!tpu.dma_semaphore, #tpu.memory_space<semaphore_mem>>)
      %dma_wait3A_37 = arith.constant 0 : i32
      %dma_wait3A_38 = tpu.memref_slice %arg4[%add3A_4, %dma_wait3A_37] : memref<262144x32xf32, #tpu.memory_space<hbm>> -> memref<2048x32xf32, #tpu.memory_space<hbm>>
      %dma_wait3A_39 = arith.constant 0 : i32
      %dma_wait3A_40 = tpu.memref_slice %arg4[%add3A_4, %dma_wait3A_39] : memref<262144x32xf32, #tpu.memory_space<hbm>> -> memref<2048x32xf32, #tpu.memory_space<hbm>>
      tpu.wait_dma2 semaphore(%run_scoped3A : memref<!tpu.dma_semaphore, #tpu.memory_space<semaphore_mem>>) src(%arg6 : memref<2048x32xf32, #tpu.memory_space<vmem>>) dst(%dma_wait3A_40 : memref<2048x32xf32, #tpu.memory_space<hbm>>)
      tpu.yield
    }) : () -> ()
    %add3A_9 = arith.constant 2048 : i32
    %add3A_10 = arith.addi %mul3A_2, %add3A_9 : i32
    "tpu.region"() ({
      %run_scoped3A = tpu.sem_alloc : memref<!tpu.dma_semaphore, #tpu.memory_space<semaphore_mem>>
      %dma_start3A_33 = tpu.memref_slice %arg3[%add3A_10] : memref<262144xi32, #tpu.memory_space<hbm>> -> memref<2048xi32, #tpu.memory_space<hbm>>
      %dma_start3A_34 = tpu.memref_slice %arg3[%add3A_10] : memref<262144xi32, #tpu.memory_space<hbm>> -> memref<2048xi32, #tpu.memory_space<hbm>>
      tpu.enqueue_dma source(%dma_start3A_34 : memref<2048xi32, #tpu.memory_space<hbm>>) target(%arg5 : memref<2048xi32, #tpu.memory_space<vmem>>) target_semaphore(%run_scoped3A : memref<!tpu.dma_semaphore, #tpu.memory_space<semaphore_mem>>)
      %dma_wait3A_35 = tpu.memref_slice %arg3[%add3A_10] : memref<262144xi32, #tpu.memory_space<hbm>> -> memref<2048xi32, #tpu.memory_space<hbm>>
      %dma_wait3A_36 = tpu.memref_slice %arg3[%add3A_10] : memref<262144xi32, #tpu.memory_space<hbm>> -> memref<2048xi32, #tpu.memory_space<hbm>>
      tpu.wait_dma2 semaphore(%run_scoped3A : memref<!tpu.dma_semaphore, #tpu.memory_space<semaphore_mem>>) src(%dma_wait3A_36 : memref<2048xi32, #tpu.memory_space<hbm>>) dst(%arg5 : memref<2048xi32, #tpu.memory_space<vmem>>)
      tpu.yield
    }) : () -> ()
    %dma_start3A_11 = arith.constant 0 : i32
    %dma_start3A_12 = arith.constant 0 : i32
    %dma_start3A_13 = tpu.memref_slice %arg2[%dma_start3A_11, %dma_start3A_12] : memref<16384x32xf32, #tpu.memory_space<hbm>> -> memref<16384x32xf32, #tpu.memory_space<hbm>>
    tpu.enqueue_indirect_dma source(%dma_start3A_13 : memref<16384x32xf32, #tpu.memory_space<hbm>>) target(%arg6 : memref<2048x32xf32, #tpu.memory_space<vmem>>) offsets(%arg5 : memref<2048xi32, #tpu.memory_space<vmem>>) semaphore(%arg7 : memref<!tpu.dma_semaphore, #tpu.memory_space<semaphore_mem>>)
    %dma_wait3A_14 = arith.constant 0 : i32
    %dma_wait3A_15 = arith.constant 0 : i32
    %dma_wait3A_16 = tpu.memref_slice %arg2[%dma_wait3A_14, %dma_wait3A_15] : memref<16384x32xf32, #tpu.memory_space<hbm>> -> memref<16384x32xf32, #tpu.memory_space<hbm>>
    tpu.wait_indirect_dma semaphore(%arg7 : memref<!tpu.dma_semaphore, #tpu.memory_space<semaphore_mem>>) src(%dma_wait3A_16 : memref<16384x32xf32, #tpu.memory_space<hbm>>) dst(%arg6 : memref<2048x32xf32, #tpu.memory_space<vmem>>)
    "tpu.region"() ({
      %run_scoped3A = tpu.sem_alloc : memref<!tpu.dma_semaphore, #tpu.memory_space<semaphore_mem>>
      %dma_start3A_33 = arith.constant 0 : i32
      %dma_start3A_34 = tpu.memref_slice %arg4[%add3A_10, %dma_start3A_33] : memref<262144x32xf32, #tpu.memory_space<hbm>> -> memref<2048x32xf32, #tpu.memory_space<hbm>>
      %dma_start3A_35 = arith.constant 0 : i32
      %dma_start3A_36 = tpu.memref_slice %arg4[%add3A_10, %dma_start3A_35] : memref<262144x32xf32, #tpu.memory_space<hbm>> -> memref<2048x32xf32, #tpu.memory_space<hbm>>
      tpu.enqueue_dma source(%arg6 : memref<2048x32xf32, #tpu.memory_space<vmem>>) target(%dma_start3A_36 : memref<2048x32xf32, #tpu.memory_space<hbm>>) target_semaphore(%run_scoped3A : memref<!tpu.dma_semaphore, #tpu.memory_space<semaphore_mem>>)
      %dma_wait3A_37 = arith.constant 0 : i32
      %dma_wait3A_38 = tpu.memref_slice %arg4[%add3A_10, %dma_wait3A_37] : memref<262144x32xf32, #tpu.memory_space<hbm>> -> memref<2048x32xf32, #tpu.memory_space<hbm>>
      %dma_wait3A_39 = arith.constant 0 : i32
      %dma_wait3A_40 = tpu.memref_slice %arg4[%add3A_10, %dma_wait3A_39] : memref<262144x32xf32, #tpu.memory_space<hbm>> -> memref<2048x32xf32, #tpu.memory_space<hbm>>
      tpu.wait_dma2 semaphore(%run_scoped3A : memref<!tpu.dma_semaphore, #tpu.memory_space<semaphore_mem>>) src(%arg6 : memref<2048x32xf32, #tpu.memory_space<vmem>>) dst(%dma_wait3A_40 : memref<2048x32xf32, #tpu.memory_space<hbm>>)
      tpu.yield
    }) : () -> ()
    %add3A_17 = arith.constant 4096 : i32
    %add3A_18 = arith.addi %mul3A_2, %add3A_17 : i32
    "tpu.region"() ({
      %run_scoped3A = tpu.sem_alloc : memref<!tpu.dma_semaphore, #tpu.memory_space<semaphore_mem>>
      %dma_start3A_33 = tpu.memref_slice %arg3[%add3A_18] : memref<262144xi32, #tpu.memory_space<hbm>> -> memref<2048xi32, #tpu.memory_space<hbm>>
      %dma_start3A_34 = tpu.memref_slice %arg3[%add3A_18] : memref<262144xi32, #tpu.memory_space<hbm>> -> memref<2048xi32, #tpu.memory_space<hbm>>
      tpu.enqueue_dma source(%dma_start3A_34 : memref<2048xi32, #tpu.memory_space<hbm>>) target(%arg5 : memref<2048xi32, #tpu.memory_space<vmem>>) target_semaphore(%run_scoped3A : memref<!tpu.dma_semaphore, #tpu.memory_space<semaphore_mem>>)
      %dma_wait3A_35 = tpu.memref_slice %arg3[%add3A_18] : memref<262144xi32, #tpu.memory_space<hbm>> -> memref<2048xi32, #tpu.memory_space<hbm>>
      %dma_wait3A_36 = tpu.memref_slice %arg3[%add3A_18] : memref<262144xi32, #tpu.memory_space<hbm>> -> memref<2048xi32, #tpu.memory_space<hbm>>
      tpu.wait_dma2 semaphore(%run_scoped3A : memref<!tpu.dma_semaphore, #tpu.memory_space<semaphore_mem>>) src(%dma_wait3A_36 : memref<2048xi32, #tpu.memory_space<hbm>>) dst(%arg5 : memref<2048xi32, #tpu.memory_space<vmem>>)
      tpu.yield
    }) : () -> ()
    %dma_start3A_19 = arith.constant 0 : i32
    %dma_start3A_20 = arith.constant 0 : i32
    %dma_start3A_21 = tpu.memref_slice %arg2[%dma_start3A_19, %dma_start3A_20] : memref<16384x32xf32, #tpu.memory_space<hbm>> -> memref<16384x32xf32, #tpu.memory_space<hbm>>
    tpu.enqueue_indirect_dma source(%dma_start3A_21 : memref<16384x32xf32, #tpu.memory_space<hbm>>) target(%arg6 : memref<2048x32xf32, #tpu.memory_space<vmem>>) offsets(%arg5 : memref<2048xi32, #tpu.memory_space<vmem>>) semaphore(%arg7 : memref<!tpu.dma_semaphore, #tpu.memory_space<semaphore_mem>>)
    %dma_wait3A_22 = arith.constant 0 : i32
    %dma_wait3A_23 = arith.constant 0 : i32
    %dma_wait3A_24 = tpu.memref_slice %arg2[%dma_wait3A_22, %dma_wait3A_23] : memref<16384x32xf32, #tpu.memory_space<hbm>> -> memref<16384x32xf32, #tpu.memory_space<hbm>>
    tpu.wait_indirect_dma semaphore(%arg7 : memref<!tpu.dma_semaphore, #tpu.memory_space<semaphore_mem>>) src(%dma_wait3A_24 : memref<16384x32xf32, #tpu.memory_space<hbm>>) dst(%arg6 : memref<2048x32xf32, #tpu.memory_space<vmem>>)
    "tpu.region"() ({
      %run_scoped3A = tpu.sem_alloc : memref<!tpu.dma_semaphore, #tpu.memory_space<semaphore_mem>>
      %dma_start3A_33 = arith.constant 0 : i32
      %dma_start3A_34 = tpu.memref_slice %arg4[%add3A_18, %dma_start3A_33] : memref<262144x32xf32, #tpu.memory_space<hbm>> -> memref<2048x32xf32, #tpu.memory_space<hbm>>
      %dma_start3A_35 = arith.constant 0 : i32
      %dma_start3A_36 = tpu.memref_slice %arg4[%add3A_18, %dma_start3A_35] : memref<262144x32xf32, #tpu.memory_space<hbm>> -> memref<2048x32xf32, #tpu.memory_space<hbm>>
      tpu.enqueue_dma source(%arg6 : memref<2048x32xf32, #tpu.memory_space<vmem>>) target(%dma_start3A_36 : memref<2048x32xf32, #tpu.memory_space<hbm>>) target_semaphore(%run_scoped3A : memref<!tpu.dma_semaphore, #tpu.memory_space<semaphore_mem>>)
      %dma_wait3A_37 = arith.constant 0 : i32
      %dma_wait3A_38 = tpu.memref_slice %arg4[%add3A_18, %dma_wait3A_37] : memref<262144x32xf32, #tpu.memory_space<hbm>> -> memref<2048x32xf32, #tpu.memory_space<hbm>>
      %dma_wait3A_39 = arith.constant 0 : i32
      %dma_wait3A_40 = tpu.memref_slice %arg4[%add3A_18, %dma_wait3A_39] : memref<262144x32xf32, #tpu.memory_space<hbm>> -> memref<2048x32xf32, #tpu.memory_space<hbm>>
      tpu.wait_dma2 semaphore(%run_scoped3A : memref<!tpu.dma_semaphore, #tpu.memory_space<semaphore_mem>>) src(%arg6 : memref<2048x32xf32, #tpu.memory_space<vmem>>) dst(%dma_wait3A_40 : memref<2048x32xf32, #tpu.memory_space<hbm>>)
      tpu.yield
    }) : () -> ()
    %add3A_25 = arith.constant 6144 : i32
    %add3A_26 = arith.addi %mul3A_2, %add3A_25 : i32
    "tpu.region"() ({
      %run_scoped3A = tpu.sem_alloc : memref<!tpu.dma_semaphore, #tpu.memory_space<semaphore_mem>>
      %dma_start3A_33 = tpu.memref_slice %arg3[%add3A_26] : memref<262144xi32, #tpu.memory_space<hbm>> -> memref<2048xi32, #tpu.memory_space<hbm>>
      %dma_start3A_34 = tpu.memref_slice %arg3[%add3A_26] : memref<262144xi32, #tpu.memory_space<hbm>> -> memref<2048xi32, #tpu.memory_space<hbm>>
      tpu.enqueue_dma source(%dma_start3A_34 : memref<2048xi32, #tpu.memory_space<hbm>>) target(%arg5 : memref<2048xi32, #tpu.memory_space<vmem>>) target_semaphore(%run_scoped3A : memref<!tpu.dma_semaphore, #tpu.memory_space<semaphore_mem>>)
      %dma_wait3A_35 = tpu.memref_slice %arg3[%add3A_26] : memref<262144xi32, #tpu.memory_space<hbm>> -> memref<2048xi32, #tpu.memory_space<hbm>>
      %dma_wait3A_36 = tpu.memref_slice %arg3[%add3A_26] : memref<262144xi32, #tpu.memory_space<hbm>> -> memref<2048xi32, #tpu.memory_space<hbm>>
      tpu.wait_dma2 semaphore(%run_scoped3A : memref<!tpu.dma_semaphore, #tpu.memory_space<semaphore_mem>>) src(%dma_wait3A_36 : memref<2048xi32, #tpu.memory_space<hbm>>) dst(%arg5 : memref<2048xi32, #tpu.memory_space<vmem>>)
      tpu.yield
    }) : () -> ()
    %dma_start3A_27 = arith.constant 0 : i32
    %dma_start3A_28 = arith.constant 0 : i32
    %dma_start3A_29 = tpu.memref_slice %arg2[%dma_start3A_27, %dma_start3A_28] : memref<16384x32xf32, #tpu.memory_space<hbm>> -> memref<16384x32xf32, #tpu.memory_space<hbm>>
    tpu.enqueue_indirect_dma source(%dma_start3A_29 : memref<16384x32xf32, #tpu.memory_space<hbm>>) target(%arg6 : memref<2048x32xf32, #tpu.memory_space<vmem>>) offsets(%arg5 : memref<2048xi32, #tpu.memory_space<vmem>>) semaphore(%arg7 : memref<!tpu.dma_semaphore, #tpu.memory_space<semaphore_mem>>)
    %dma_wait3A_30 = arith.constant 0 : i32
    %dma_wait3A_31 = arith.constant 0 : i32
    %dma_wait3A_32 = tpu.memref_slice %arg2[%dma_wait3A_30, %dma_wait3A_31] : memref<16384x32xf32, #tpu.memory_space<hbm>> -> memref<16384x32xf32, #tpu.memory_space<hbm>>
    tpu.wait_indirect_dma semaphore(%arg7 : memref<!tpu.dma_semaphore, #tpu.memory_space<semaphore_mem>>) src(%dma_wait3A_32 : memref<16384x32xf32, #tpu.memory_space<hbm>>) dst(%arg6 : memref<2048x32xf32, #tpu.memory_space<vmem>>)
    "tpu.region"() ({
      %run_scoped3A = tpu.sem_alloc : memref<!tpu.dma_semaphore, #tpu.memory_space<semaphore_mem>>
      %dma_start3A_33 = arith.constant 0 : i32
      %dma_start3A_34 = tpu.memref_slice %arg4[%add3A_26, %dma_start3A_33] : memref<262144x32xf32, #tpu.memory_space<hbm>> -> memref<2048x32xf32, #tpu.memory_space<hbm>>
      %dma_start3A_35 = arith.constant 0 : i32
      %dma_start3A_36 = tpu.memref_slice %arg4[%add3A_26, %dma_start3A_35] : memref<262144x32xf32, #tpu.memory_space<hbm>> -> memref<2048x32xf32, #tpu.memory_space<hbm>>
      tpu.enqueue_dma source(%arg6 : memref<2048x32xf32, #tpu.memory_space<vmem>>) target(%dma_start3A_36 : memref<2048x32xf32, #tpu.memory_space<hbm>>) target_semaphore(%run_scoped3A : memref<!tpu.dma_semaphore, #tpu.memory_space<semaphore_mem>>)
      %dma_wait3A_37 = arith.constant 0 : i32
      %dma_wait3A_38 = tpu.memref_slice %arg4[%add3A_26, %dma_wait3A_37] : memref<262144x32xf32, #tpu.memory_space<hbm>> -> memref<2048x32xf32, #tpu.memory_space<hbm>>
      %dma_wait3A_39 = arith.constant 0 : i32
      %dma_wait3A_40 = tpu.memref_slice %arg4[%add3A_26, %dma_wait3A_39] : memref<262144x32xf32, #tpu.memory_space<hbm>> -> memref<2048x32xf32, #tpu.memory_space<hbm>>
      tpu.wait_dma2 semaphore(%run_scoped3A : memref<!tpu.dma_semaphore, #tpu.memory_space<semaphore_mem>>) src(%arg6 : memref<2048x32xf32, #tpu.memory_space<vmem>>) dst(%dma_wait3A_40 : memref<2048x32xf32, #tpu.memory_space<hbm>>)
      tpu.yield
    }) : () -> ()
    return
  }
}

module attributes {stable_mosaic.version = 14 : i64} {
  func.func @body(%arg0: i32, %arg1: memref<1024x64xf32, #tpu.memory_space<vmem>>, %arg2: memref<1024x64xf32, #tpu.memory_space<vmem>>, %arg3: memref<1024x64xf32, #tpu.memory_space<vmem>>, %arg4: memref<1024x4xf32, #tpu.memory_space<vmem>>, %arg5: memref<4x64xf32, #tpu.memory_space<vmem>>, %arg6: memref<64x16xf32, #tpu.memory_space<vmem>>, %arg7: memref<64x160xf32, #tpu.memory_space<vmem>>, %arg8: memref<16x160xf32, #tpu.memory_space<vmem>>, %arg9: memref<4x160xf32, #tpu.memory_space<vmem>>, %arg10: memref<64x160xf32, #tpu.memory_space<vmem>>, %arg11: memref<16x160xf32, #tpu.memory_space<vmem>>, %arg12: memref<4x160xf32, #tpu.memory_space<vmem>>, %arg13: memref<64x160xf32, #tpu.memory_space<vmem>>, %arg14: memref<16x160xf32, #tpu.memory_space<vmem>>, %arg15: memref<4x160xf32, #tpu.memory_space<vmem>>, %arg16: memref<8x160xf32, #tpu.memory_space<vmem>>, %arg17: memref<8x160xf32, #tpu.memory_space<vmem>>) attributes {dimension_semantics = [#tpu.dimension_semantics<arbitrary>], iteration_bounds = array<i64: 16>, scalar_prefetch = 0 : i64, scratch_operands = 1 : i64, tpu.core_type = #tpu.core_type<tc>, window_params = [{transform_indices = @transform_0, window_bounds = array<i64: 1024, 64>}, {transform_indices = @transform_1, window_bounds = array<i64: 1024, 64>}, {transform_indices = @transform_2, window_bounds = array<i64: 1024, 64>}, {transform_indices = @transform_3, window_bounds = array<i64: 1024, 4>}, {pipeline_mode = #tpu.pipeline_mode<synchronous>, transform_indices = @transform_4, window_bounds = array<i64: 4, 64>}, {pipeline_mode = #tpu.pipeline_mode<synchronous>, transform_indices = @transform_5, window_bounds = array<i64: 64, 16>}, {pipeline_mode = #tpu.pipeline_mode<synchronous>, transform_indices = @transform_6, window_bounds = array<i64: 64, 160>}, {pipeline_mode = #tpu.pipeline_mode<synchronous>, transform_indices = @transform_7, window_bounds = array<i64: 16, 160>}, {pipeline_mode = #tpu.pipeline_mode<synchronous>, transform_indices = @transform_8, window_bounds = array<i64: 4, 160>}, {pipeline_mode = #tpu.pipeline_mode<synchronous>, transform_indices = @transform_9, window_bounds = array<i64: 64, 160>}, {pipeline_mode = #tpu.pipeline_mode<synchronous>, transform_indices = @transform_10, window_bounds = array<i64: 16, 160>}, {pipeline_mode = #tpu.pipeline_mode<synchronous>, transform_indices = @transform_11, window_bounds = array<i64: 4, 160>}, {pipeline_mode = #tpu.pipeline_mode<synchronous>, transform_indices = @transform_12, window_bounds = array<i64: 64, 160>}, {pipeline_mode = #tpu.pipeline_mode<synchronous>, transform_indices = @transform_13, window_bounds = array<i64: 16, 160>}, {pipeline_mode = #tpu.pipeline_mode<synchronous>, transform_indices = @transform_14, window_bounds = array<i64: 4, 160>}, {pipeline_mode = #tpu.pipeline_mode<synchronous>, transform_indices = @transform_15, window_bounds = array<i64: 8, 160>}]} {
    %eq3A = arith.constant 0 : i32
    %eq3A_0 = arith.cmpi eq, %arg0, %eq3A : i32
    %convert_element_type3A = arith.extui %eq3A_0 : i1 to i32
    %cond3A = arith.constant 0 : i32
    %cond3A_1 = arith.cmpi ne, %convert_element_type3A, %cond3A : i32
    scf.if %cond3A_1 {
      %broadcast_in_dim3A_169 = arith.constant 0.000000e+00 : f32
      %broadcast_in_dim3A_170 = vector.broadcast %broadcast_in_dim3A_169 : f32 to vector<8x160xf32>
      %swap3A_171 = arith.constant 0 : index
      %swap3A_172 = arith.constant 0 : index
      %swap3A_173 = vector.load %arg17[%swap3A_171, %swap3A_172] : memref<8x160xf32, #tpu.memory_space<vmem>>, vector<8x160xf32>
      tpu.vector_store %arg17[%swap3A_171, %swap3A_172], %broadcast_in_dim3A_170 {strides = array<i32>} : memref<8x160xf32, #tpu.memory_space<vmem>>, vector<8x160xf32>,
    } else {
    }
    %get3A = arith.constant 0 : index
    %get3A_2 = arith.constant 0 : index
    %get3A_3 = vector.load %arg5[%get3A, %get3A_2] : memref<4x64xf32, #tpu.memory_space<vmem>>, vector<4x64xf32>
    %get3A_4 = arith.constant 0 : index
    %get3A_5 = arith.constant 0 : index
    %get3A_6 = vector.load %arg6[%get3A_4, %get3A_5] : memref<64x16xf32, #tpu.memory_space<vmem>>, vector<64x16xf32>
    %get3A_7 = arith.constant 0 : index
    %get3A_8 = arith.constant 0 : index
    %get3A_9 = vector.load %arg7[%get3A_7, %get3A_8] : memref<64x160xf32, #tpu.memory_space<vmem>>, vector<64x160xf32>
    %get3A_10 = arith.constant 0 : index
    %get3A_11 = arith.constant 0 : index
    %get3A_12 = vector.load %arg8[%get3A_10, %get3A_11] : memref<16x160xf32, #tpu.memory_space<vmem>>, vector<16x160xf32>
    %get3A_13 = arith.constant 0 : index
    %get3A_14 = arith.constant 0 : index
    %get3A_15 = vector.load %arg9[%get3A_13, %get3A_14] : memref<4x160xf32, #tpu.memory_space<vmem>>, vector<4x160xf32>
    %get3A_16 = arith.constant 0 : index
    %get3A_17 = arith.constant 0 : index
    %get3A_18 = vector.load %arg1[%get3A_16, %get3A_17] : memref<1024x64xf32, #tpu.memory_space<vmem>>, vector<1024x64xf32>
    %get3A_19 = arith.constant 0 : index
    %get3A_20 = arith.constant 0 : index
    %get3A_21 = vector.load %arg4[%get3A_19, %get3A_20] : memref<1024x4xf32, #tpu.memory_space<vmem>>, vector<1024x4xf32>
    %dot_general3A = arith.constant dense<0.000000e+00> : vector<1024x64xf32>
    %dot_general3A_22 = tpu.matmul %get3A_21, %get3A_3, %dot_general3A {dimension_numbers = #tpu.dot_dimension_numbers<[1], [0], [0], [1], [0, 0, 1, 1], [], []>, transpose_lhs_hint = false} : vector<1024x4xf32>, vector<4x64xf32>, vector<1024x64xf32> -> vector<1024x64xf32>
    %sub3A = arith.subf %dot_general3A_22, %get3A_18 : vector<1024x64xf32>
    %mul3A = arith.mulf %sub3A, %sub3A : vector<1024x64xf32>
    %dot_general3A_23 = arith.constant dense<0.000000e+00> : vector<1024x16xf32>
    %dot_general3A_24 = tpu.matmul %mul3A, %get3A_6, %dot_general3A_23 {dimension_numbers = #tpu.dot_dimension_numbers<[1], [0], [0], [1], [0, 0, 1, 1], [], []>, transpose_lhs_hint = false} : vector<1024x64xf32>, vector<64x16xf32>, vector<1024x16xf32> -> vector<1024x16xf32>
    %sqrt3A = math.sqrt %dot_general3A_24 : vector<1024x16xf32>
    %dot_general3A_25 = arith.constant dense<0.000000e+00> : vector<1024x160xf32>
    %dot_general3A_26 = tpu.matmul %get3A_18, %get3A_9, %dot_general3A_25 {dimension_numbers = #tpu.dot_dimension_numbers<[1], [0], [0], [1], [0, 0, 1, 1], [], []>, transpose_lhs_hint = false} : vector<1024x64xf32>, vector<64x160xf32>, vector<1024x160xf32> -> vector<1024x160xf32>
    %dot_general3A_27 = arith.constant dense<0.000000e+00> : vector<1024x160xf32>
    %dot_general3A_28 = tpu.matmul %sqrt3A, %get3A_12, %dot_general3A_27 {dimension_numbers = #tpu.dot_dimension_numbers<[1], [0], [0], [1], [0, 0, 1, 1], [], []>, transpose_lhs_hint = false} : vector<1024x16xf32>, vector<16x160xf32>, vector<1024x160xf32> -> vector<1024x160xf32>
    %add3A = arith.addf %dot_general3A_26, %dot_general3A_28 : vector<1024x160xf32>
    %dot_general3A_29 = arith.constant dense<0.000000e+00> : vector<1024x160xf32>
    %dot_general3A_30 = tpu.matmul %get3A_21, %get3A_15, %dot_general3A_29 {dimension_numbers = #tpu.dot_dimension_numbers<[1], [0], [0], [1], [0, 0, 1, 1], [], []>, transpose_lhs_hint = false} : vector<1024x4xf32>, vector<4x160xf32>, vector<1024x160xf32> -> vector<1024x160xf32>
    %add3A_31 = arith.addf %add3A, %dot_general3A_30 : vector<1024x160xf32>
    %get3A_32 = arith.constant 0 : index
    %get3A_33 = arith.constant 0 : index
    %get3A_34 = vector.load %arg17[%get3A_32, %get3A_33] : memref<8x160xf32, #tpu.memory_space<vmem>>, vector<1x160xf32>
    %reduce_sum3A = arith.constant dense<0.000000e+00> : vector<160xf32>
    %reduce_sum3A_35 = vector.multi_reduction <add>, %add3A_31, %reduce_sum3A [0] : vector<1024x160xf32> to vector<160xf32>
    %broadcast_in_dim3A = vector.shape_cast %reduce_sum3A_35 : vector<160xf32> to vector<1x160xf32>
    %add3A_36 = arith.addf %get3A_34, %broadcast_in_dim3A : vector<1x160xf32>
    %swap3A = arith.constant 0 : index
    %swap3A_37 = arith.constant 0 : index
    %swap3A_38 = vector.load %arg17[%swap3A, %swap3A_37] : memref<8x160xf32, #tpu.memory_space<vmem>>, vector<1x160xf32>
    tpu.vector_store %arg17[%swap3A, %swap3A_37], %add3A_36 {strides = array<i32>} : memref<8x160xf32, #tpu.memory_space<vmem>>, vector<1x160xf32>,
    %get3A_39 = arith.constant 1 : index
    %get3A_40 = arith.constant 0 : index
    %get3A_41 = vector.load %arg17[%get3A_39, %get3A_40] : memref<8x160xf32, #tpu.memory_space<vmem>>, vector<1x160xf32>
    %mul3A_42 = arith.mulf %add3A_31, %add3A_31 : vector<1024x160xf32>
    %reduce_sum3A_43 = arith.constant dense<0.000000e+00> : vector<160xf32>
    %reduce_sum3A_44 = vector.multi_reduction <add>, %mul3A_42, %reduce_sum3A_43 [0] : vector<1024x160xf32> to vector<160xf32>
    %broadcast_in_dim3A_45 = vector.shape_cast %reduce_sum3A_44 : vector<160xf32> to vector<1x160xf32>
    %add3A_46 = arith.addf %get3A_41, %broadcast_in_dim3A_45 : vector<1x160xf32>
    %swap3A_47 = arith.constant 1 : index
    %swap3A_48 = arith.constant 0 : index
    %swap3A_49 = vector.load %arg17[%swap3A_47, %swap3A_48] : memref<8x160xf32, #tpu.memory_space<vmem>>, vector<1x160xf32>
    tpu.vector_store %arg17[%swap3A_47, %swap3A_48], %add3A_46 {strides = array<i32>} : memref<8x160xf32, #tpu.memory_space<vmem>>, vector<1x160xf32>,
    %get3A_50 = arith.constant 0 : index
    %get3A_51 = arith.constant 0 : index
    %get3A_52 = vector.load %arg5[%get3A_50, %get3A_51] : memref<4x64xf32, #tpu.memory_space<vmem>>, vector<4x64xf32>
    %get3A_53 = arith.constant 0 : index
    %get3A_54 = arith.constant 0 : index
    %get3A_55 = vector.load %arg6[%get3A_53, %get3A_54] : memref<64x16xf32, #tpu.memory_space<vmem>>, vector<64x16xf32>
    %get3A_56 = arith.constant 0 : index
    %get3A_57 = arith.constant 0 : index
    %get3A_58 = vector.load %arg10[%get3A_56, %get3A_57] : memref<64x160xf32, #tpu.memory_space<vmem>>, vector<64x160xf32>
    %get3A_59 = arith.constant 0 : index
    %get3A_60 = arith.constant 0 : index
    %get3A_61 = vector.load %arg11[%get3A_59, %get3A_60] : memref<16x160xf32, #tpu.memory_space<vmem>>, vector<16x160xf32>
    %get3A_62 = arith.constant 0 : index
    %get3A_63 = arith.constant 0 : index
    %get3A_64 = vector.load %arg12[%get3A_62, %get3A_63] : memref<4x160xf32, #tpu.memory_space<vmem>>, vector<4x160xf32>
    %get3A_65 = arith.constant 0 : index
    %get3A_66 = arith.constant 0 : index
    %get3A_67 = vector.load %arg2[%get3A_65, %get3A_66] : memref<1024x64xf32, #tpu.memory_space<vmem>>, vector<1024x64xf32>
    %get3A_68 = arith.constant 0 : index
    %get3A_69 = arith.constant 0 : index
    %get3A_70 = vector.load %arg4[%get3A_68, %get3A_69] : memref<1024x4xf32, #tpu.memory_space<vmem>>, vector<1024x4xf32>
    %dot_general3A_71 = arith.constant dense<0.000000e+00> : vector<1024x64xf32>
    %dot_general3A_72 = tpu.matmul %get3A_70, %get3A_52, %dot_general3A_71 {dimension_numbers = #tpu.dot_dimension_numbers<[1], [0], [0], [1], [0, 0, 1, 1], [], []>, transpose_lhs_hint = false} : vector<1024x4xf32>, vector<4x64xf32>, vector<1024x64xf32> -> vector<1024x64xf32>
    %sub3A_73 = arith.subf %dot_general3A_72, %get3A_67 : vector<1024x64xf32>
    %mul3A_74 = arith.mulf %sub3A_73, %sub3A_73 : vector<1024x64xf32>
    %dot_general3A_75 = arith.constant dense<0.000000e+00> : vector<1024x16xf32>
    %dot_general3A_76 = tpu.matmul %mul3A_74, %get3A_55, %dot_general3A_75 {dimension_numbers = #tpu.dot_dimension_numbers<[1], [0], [0], [1], [0, 0, 1, 1], [], []>, transpose_lhs_hint = false} : vector<1024x64xf32>, vector<64x16xf32>, vector<1024x16xf32> -> vector<1024x16xf32>
    %sqrt3A_77 = math.sqrt %dot_general3A_76 : vector<1024x16xf32>
    %dot_general3A_78 = arith.constant dense<0.000000e+00> : vector<1024x160xf32>
    %dot_general3A_79 = tpu.matmul %get3A_67, %get3A_58, %dot_general3A_78 {dimension_numbers = #tpu.dot_dimension_numbers<[1], [0], [0], [1], [0, 0, 1, 1], [], []>, transpose_lhs_hint = false} : vector<1024x64xf32>, vector<64x160xf32>, vector<1024x160xf32> -> vector<1024x160xf32>
    %dot_general3A_80 = arith.constant dense<0.000000e+00> : vector<1024x160xf32>
    %dot_general3A_81 = tpu.matmul %sqrt3A_77, %get3A_61, %dot_general3A_80 {dimension_numbers = #tpu.dot_dimension_numbers<[1], [0], [0], [1], [0, 0, 1, 1], [], []>, transpose_lhs_hint = false} : vector<1024x16xf32>, vector<16x160xf32>, vector<1024x160xf32> -> vector<1024x160xf32>
    %add3A_82 = arith.addf %dot_general3A_79, %dot_general3A_81 : vector<1024x160xf32>
    %dot_general3A_83 = arith.constant dense<0.000000e+00> : vector<1024x160xf32>
    %dot_general3A_84 = tpu.matmul %get3A_70, %get3A_64, %dot_general3A_83 {dimension_numbers = #tpu.dot_dimension_numbers<[1], [0], [0], [1], [0, 0, 1, 1], [], []>, transpose_lhs_hint = false} : vector<1024x4xf32>, vector<4x160xf32>, vector<1024x160xf32> -> vector<1024x160xf32>
    %add3A_85 = arith.addf %add3A_82, %dot_general3A_84 : vector<1024x160xf32>
    %get3A_86 = arith.constant 2 : index
    %get3A_87 = arith.constant 0 : index
    %get3A_88 = vector.load %arg17[%get3A_86, %get3A_87] : memref<8x160xf32, #tpu.memory_space<vmem>>, vector<1x160xf32>
    %reduce_sum3A_89 = arith.constant dense<0.000000e+00> : vector<160xf32>
    %reduce_sum3A_90 = vector.multi_reduction <add>, %add3A_85, %reduce_sum3A_89 [0] : vector<1024x160xf32> to vector<160xf32>
    %broadcast_in_dim3A_91 = vector.shape_cast %reduce_sum3A_90 : vector<160xf32> to vector<1x160xf32>
    %add3A_92 = arith.addf %get3A_88, %broadcast_in_dim3A_91 : vector<1x160xf32>
    %swap3A_93 = arith.constant 2 : index
    %swap3A_94 = arith.constant 0 : index
    %swap3A_95 = vector.load %arg17[%swap3A_93, %swap3A_94] : memref<8x160xf32, #tpu.memory_space<vmem>>, vector<1x160xf32>
    tpu.vector_store %arg17[%swap3A_93, %swap3A_94], %add3A_92 {strides = array<i32>} : memref<8x160xf32, #tpu.memory_space<vmem>>, vector<1x160xf32>,
    %get3A_96 = arith.constant 3 : index
    %get3A_97 = arith.constant 0 : index
    %get3A_98 = vector.load %arg17[%get3A_96, %get3A_97] : memref<8x160xf32, #tpu.memory_space<vmem>>, vector<1x160xf32>
    %mul3A_99 = arith.mulf %add3A_85, %add3A_85 : vector<1024x160xf32>
    %reduce_sum3A_100 = arith.constant dense<0.000000e+00> : vector<160xf32>
    %reduce_sum3A_101 = vector.multi_reduction <add>, %mul3A_99, %reduce_sum3A_100 [0] : vector<1024x160xf32> to vector<160xf32>
    %broadcast_in_dim3A_102 = vector.shape_cast %reduce_sum3A_101 : vector<160xf32> to vector<1x160xf32>
    %add3A_103 = arith.addf %get3A_98, %broadcast_in_dim3A_102 : vector<1x160xf32>
    %swap3A_104 = arith.constant 3 : index
    %swap3A_105 = arith.constant 0 : index
    %swap3A_106 = vector.load %arg17[%swap3A_104, %swap3A_105] : memref<8x160xf32, #tpu.memory_space<vmem>>, vector<1x160xf32>
    tpu.vector_store %arg17[%swap3A_104, %swap3A_105], %add3A_103 {strides = array<i32>} : memref<8x160xf32, #tpu.memory_space<vmem>>, vector<1x160xf32>,
    %get3A_107 = arith.constant 0 : index
    %get3A_108 = arith.constant 0 : index
    %get3A_109 = vector.load %arg5[%get3A_107, %get3A_108] : memref<4x64xf32, #tpu.memory_space<vmem>>, vector<4x64xf32>
    %get3A_110 = arith.constant 0 : index
    %get3A_111 = arith.constant 0 : index
    %get3A_112 = vector.load %arg6[%get3A_110, %get3A_111] : memref<64x16xf32, #tpu.memory_space<vmem>>, vector<64x16xf32>
    %get3A_113 = arith.constant 0 : index
    %get3A_114 = arith.constant 0 : index
    %get3A_115 = vector.load %arg13[%get3A_113, %get3A_114] : memref<64x160xf32, #tpu.memory_space<vmem>>, vector<64x160xf32>
    %get3A_116 = arith.constant 0 : index
    %get3A_117 = arith.constant 0 : index
    %get3A_118 = vector.load %arg14[%get3A_116, %get3A_117] : memref<16x160xf32, #tpu.memory_space<vmem>>, vector<16x160xf32>
    %get3A_119 = arith.constant 0 : index
    %get3A_120 = arith.constant 0 : index
    %get3A_121 = vector.load %arg15[%get3A_119, %get3A_120] : memref<4x160xf32, #tpu.memory_space<vmem>>, vector<4x160xf32>
    %get3A_122 = arith.constant 0 : index
    %get3A_123 = arith.constant 0 : index
    %get3A_124 = vector.load %arg3[%get3A_122, %get3A_123] : memref<1024x64xf32, #tpu.memory_space<vmem>>, vector<1024x64xf32>
    %get3A_125 = arith.constant 0 : index
    %get3A_126 = arith.constant 0 : index
    %get3A_127 = vector.load %arg4[%get3A_125, %get3A_126] : memref<1024x4xf32, #tpu.memory_space<vmem>>, vector<1024x4xf32>
    %dot_general3A_128 = arith.constant dense<0.000000e+00> : vector<1024x64xf32>
    %dot_general3A_129 = tpu.matmul %get3A_127, %get3A_109, %dot_general3A_128 {dimension_numbers = #tpu.dot_dimension_numbers<[1], [0], [0], [1], [0, 0, 1, 1], [], []>, transpose_lhs_hint = false} : vector<1024x4xf32>, vector<4x64xf32>, vector<1024x64xf32> -> vector<1024x64xf32>
    %sub3A_130 = arith.subf %dot_general3A_129, %get3A_124 : vector<1024x64xf32>
    %mul3A_131 = arith.mulf %sub3A_130, %sub3A_130 : vector<1024x64xf32>
    %dot_general3A_132 = arith.constant dense<0.000000e+00> : vector<1024x16xf32>
    %dot_general3A_133 = tpu.matmul %mul3A_131, %get3A_112, %dot_general3A_132 {dimension_numbers = #tpu.dot_dimension_numbers<[1], [0], [0], [1], [0, 0, 1, 1], [], []>, transpose_lhs_hint = false} : vector<1024x64xf32>, vector<64x16xf32>, vector<1024x16xf32> -> vector<1024x16xf32>
    %sqrt3A_134 = math.sqrt %dot_general3A_133 : vector<1024x16xf32>
    %dot_general3A_135 = arith.constant dense<0.000000e+00> : vector<1024x160xf32>
    %dot_general3A_136 = tpu.matmul %get3A_124, %get3A_115, %dot_general3A_135 {dimension_numbers = #tpu.dot_dimension_numbers<[1], [0], [0], [1], [0, 0, 1, 1], [], []>, transpose_lhs_hint = false} : vector<1024x64xf32>, vector<64x160xf32>, vector<1024x160xf32> -> vector<1024x160xf32>
    %dot_general3A_137 = arith.constant dense<0.000000e+00> : vector<1024x160xf32>
    %dot_general3A_138 = tpu.matmul %sqrt3A_134, %get3A_118, %dot_general3A_137 {dimension_numbers = #tpu.dot_dimension_numbers<[1], [0], [0], [1], [0, 0, 1, 1], [], []>, transpose_lhs_hint = false} : vector<1024x16xf32>, vector<16x160xf32>, vector<1024x160xf32> -> vector<1024x160xf32>
    %add3A_139 = arith.addf %dot_general3A_136, %dot_general3A_138 : vector<1024x160xf32>
    %dot_general3A_140 = arith.constant dense<0.000000e+00> : vector<1024x160xf32>
    %dot_general3A_141 = tpu.matmul %get3A_127, %get3A_121, %dot_general3A_140 {dimension_numbers = #tpu.dot_dimension_numbers<[1], [0], [0], [1], [0, 0, 1, 1], [], []>, transpose_lhs_hint = false} : vector<1024x4xf32>, vector<4x160xf32>, vector<1024x160xf32> -> vector<1024x160xf32>
    %add3A_142 = arith.addf %add3A_139, %dot_general3A_141 : vector<1024x160xf32>
    %get3A_143 = arith.constant 4 : index
    %get3A_144 = arith.constant 0 : index
    %get3A_145 = vector.load %arg17[%get3A_143, %get3A_144] : memref<8x160xf32, #tpu.memory_space<vmem>>, vector<1x160xf32>
    %reduce_sum3A_146 = arith.constant dense<0.000000e+00> : vector<160xf32>
    %reduce_sum3A_147 = vector.multi_reduction <add>, %add3A_142, %reduce_sum3A_146 [0] : vector<1024x160xf32> to vector<160xf32>
    %broadcast_in_dim3A_148 = vector.shape_cast %reduce_sum3A_147 : vector<160xf32> to vector<1x160xf32>
    %add3A_149 = arith.addf %get3A_145, %broadcast_in_dim3A_148 : vector<1x160xf32>
    %swap3A_150 = arith.constant 4 : index
    %swap3A_151 = arith.constant 0 : index
    %swap3A_152 = vector.load %arg17[%swap3A_150, %swap3A_151] : memref<8x160xf32, #tpu.memory_space<vmem>>, vector<1x160xf32>
    tpu.vector_store %arg17[%swap3A_150, %swap3A_151], %add3A_149 {strides = array<i32>} : memref<8x160xf32, #tpu.memory_space<vmem>>, vector<1x160xf32>,
    %get3A_153 = arith.constant 5 : index
    %get3A_154 = arith.constant 0 : index
    %get3A_155 = vector.load %arg17[%get3A_153, %get3A_154] : memref<8x160xf32, #tpu.memory_space<vmem>>, vector<1x160xf32>
    %mul3A_156 = arith.mulf %add3A_142, %add3A_142 : vector<1024x160xf32>
    %reduce_sum3A_157 = arith.constant dense<0.000000e+00> : vector<160xf32>
    %reduce_sum3A_158 = vector.multi_reduction <add>, %mul3A_156, %reduce_sum3A_157 [0] : vector<1024x160xf32> to vector<160xf32>
    %broadcast_in_dim3A_159 = vector.shape_cast %reduce_sum3A_158 : vector<160xf32> to vector<1x160xf32>
    %add3A_160 = arith.addf %get3A_155, %broadcast_in_dim3A_159 : vector<1x160xf32>
    %swap3A_161 = arith.constant 5 : index
    %swap3A_162 = arith.constant 0 : index
    %swap3A_163 = vector.load %arg17[%swap3A_161, %swap3A_162] : memref<8x160xf32, #tpu.memory_space<vmem>>, vector<1x160xf32>
    tpu.vector_store %arg17[%swap3A_161, %swap3A_162], %add3A_160 {strides = array<i32>} : memref<8x160xf32, #tpu.memory_space<vmem>>, vector<1x160xf32>,
    %eq3A_164 = arith.constant 15 : i32
    %eq3A_165 = arith.cmpi eq, %arg0, %eq3A_164 : i32
    %convert_element_type3A_166 = arith.extui %eq3A_165 : i1 to i32
    %cond3A_167 = arith.constant 0 : i32
    %cond3A_168 = arith.cmpi ne, %convert_element_type3A_166, %cond3A_167 : i32
    scf.if %cond3A_168 {
      %get3A_169 = arith.constant 0 : index
      %get3A_170 = arith.constant 0 : index
      %get3A_171 = vector.load %arg17[%get3A_169, %get3A_170] : memref<8x160xf32, #tpu.memory_space<vmem>>, vector<8x160xf32>
      %swap3A_172 = arith.constant 0 : index
      %swap3A_173 = arith.constant 0 : index
      %swap3A_174 = vector.load %arg16[%swap3A_172, %swap3A_173] : memref<8x160xf32, #tpu.memory_space<vmem>>, vector<8x160xf32>
      tpu.vector_store %arg16[%swap3A_172, %swap3A_173], %get3A_171 {strides = array<i32>} : memref<8x160xf32, #tpu.memory_space<vmem>>, vector<8x160xf32>,
    } else {
    }
    return
  }
  func.func @transform_0(%arg0: i32) -> (i32, i32) {
    %c0_i32 = arith.constant 0 : i32
    %c0_i32_0 = arith.constant 0 : i32
    return %arg0, %c0_i32 : i32, i32
  }
  func.func @transform_1(%arg0: i32) -> (i32, i32) {
    %c0_i32 = arith.constant 0 : i32
    %c0_i32_0 = arith.constant 0 : i32
    return %arg0, %c0_i32 : i32, i32
  }
  func.func @transform_2(%arg0: i32) -> (i32, i32) {
    %c0_i32 = arith.constant 0 : i32
    %c0_i32_0 = arith.constant 0 : i32
    return %arg0, %c0_i32 : i32, i32
  }
  func.func @transform_3(%arg0: i32) -> (i32, i32) {
    %c0_i32 = arith.constant 0 : i32
    %c0_i32_0 = arith.constant 0 : i32
    return %arg0, %c0_i32 : i32, i32
  }
  func.func @transform_4(%arg0: i32) -> (i32, i32) {
    %c0_i32 = arith.constant 0 : i32
    %c0_i32_0 = arith.constant 0 : i32
    %c0_i32_1 = arith.constant 0 : i32
    return %c0_i32, %c0_i32_0 : i32, i32
  }
  func.func @transform_5(%arg0: i32) -> (i32, i32) {
    %c0_i32 = arith.constant 0 : i32
    %c0_i32_0 = arith.constant 0 : i32
    %c0_i32_1 = arith.constant 0 : i32
    return %c0_i32, %c0_i32_0 : i32, i32
  }
  func.func @transform_6(%arg0: i32) -> (i32, i32) {
    %c0_i32 = arith.constant 0 : i32
    %c0_i32_0 = arith.constant 0 : i32
    %c0_i32_1 = arith.constant 0 : i32
    return %c0_i32, %c0_i32_0 : i32, i32
  }
  func.func @transform_7(%arg0: i32) -> (i32, i32) {
    %c0_i32 = arith.constant 0 : i32
    %c0_i32_0 = arith.constant 0 : i32
    %c0_i32_1 = arith.constant 0 : i32
    return %c0_i32, %c0_i32_0 : i32, i32
  }
  func.func @transform_8(%arg0: i32) -> (i32, i32) {
    %c0_i32 = arith.constant 0 : i32
    %c0_i32_0 = arith.constant 0 : i32
    %c0_i32_1 = arith.constant 0 : i32
    return %c0_i32, %c0_i32_0 : i32, i32
  }
  func.func @transform_9(%arg0: i32) -> (i32, i32) {
    %c0_i32 = arith.constant 0 : i32
    %c0_i32_0 = arith.constant 0 : i32
    %c0_i32_1 = arith.constant 0 : i32
    return %c0_i32, %c0_i32_0 : i32, i32
  }
  func.func @transform_10(%arg0: i32) -> (i32, i32) {
    %c0_i32 = arith.constant 0 : i32
    %c0_i32_0 = arith.constant 0 : i32
    %c0_i32_1 = arith.constant 0 : i32
    return %c0_i32, %c0_i32_0 : i32, i32
  }
  func.func @transform_11(%arg0: i32) -> (i32, i32) {
    %c0_i32 = arith.constant 0 : i32
    %c0_i32_0 = arith.constant 0 : i32
    %c0_i32_1 = arith.constant 0 : i32
    return %c0_i32, %c0_i32_0 : i32, i32
  }
  func.func @transform_12(%arg0: i32) -> (i32, i32) {
    %c0_i32 = arith.constant 0 : i32
    %c0_i32_0 = arith.constant 0 : i32
    %c0_i32_1 = arith.constant 0 : i32
    return %c0_i32, %c0_i32_0 : i32, i32
  }
  func.func @transform_13(%arg0: i32) -> (i32, i32) {
    %c0_i32 = arith.constant 0 : i32
    %c0_i32_0 = arith.constant 0 : i32
    %c0_i32_1 = arith.constant 0 : i32
    return %c0_i32, %c0_i32_0 : i32, i32
  }
  func.func @transform_14(%arg0: i32) -> (i32, i32) {
    %c0_i32 = arith.constant 0 : i32
    %c0_i32_0 = arith.constant 0 : i32
    %c0_i32_1 = arith.constant 0 : i32
    return %c0_i32, %c0_i32_0 : i32, i32
  }
  func.func @transform_15(%arg0: i32) -> (i32, i32) {
    %c0_i32 = arith.constant 0 : i32
    %c0_i32_0 = arith.constant 0 : i32
    %c0_i32_1 = arith.constant 0 : i32
    return %c0_i32, %c0_i32_0 : i32, i32
  }
}

module attributes {stable_mosaic.version = 14 : i64} {
  func.func @body(%arg0: memref<8x160xf32, #tpu.memory_space<vmem>>, %arg1: memref<160x10xf32, #tpu.memory_space<vmem>>, %arg2: memref<1x10xf32, #tpu.memory_space<vmem>>, %arg3: memref<1x10xf32, #tpu.memory_space<vmem>>, %arg4: memref<1x10xf32, #tpu.memory_space<vmem>>, %arg5: memref<1x10xf32, #tpu.memory_space<vmem>>, %arg6: memref<1x10xf32, #tpu.memory_space<vmem>>, %arg7: memref<1x10xf32, #tpu.memory_space<vmem>>, %arg8: memref<8x16xf32, #tpu.memory_space<vmem>>) attributes {dimension_semantics = [], scalar_prefetch = 0 : i64, scratch_operands = 0 : i64, tpu.core_type = #tpu.core_type<tc>} {
    %get3A = arith.constant 0 : index
    %get3A_0 = arith.constant 0 : index
    %get3A_1 = vector.load %arg0[%get3A, %get3A_0] : memref<8x160xf32, #tpu.memory_space<vmem>>, vector<1x160xf32>
    %get3A_2 = arith.constant 0 : index
    %get3A_3 = arith.constant 0 : index
    %get3A_4 = vector.load %arg1[%get3A_2, %get3A_3] : memref<160x10xf32, #tpu.memory_space<vmem>>, vector<160x10xf32>
    %dot_general3A = arith.constant dense<0.000000e+00> : vector<1x10xf32>
    %dot_general3A_5 = tpu.matmul %get3A_1, %get3A_4, %dot_general3A {dimension_numbers = #tpu.dot_dimension_numbers<[1], [0], [0], [1], [0, 0, 1, 1], [], []>, transpose_lhs_hint = false} : vector<1x160xf32>, vector<160x10xf32>, vector<1x10xf32> -> vector<1x10xf32>
    %get3A_6 = arith.constant 1 : index
    %get3A_7 = arith.constant 0 : index
    %get3A_8 = vector.load %arg0[%get3A_6, %get3A_7] : memref<8x160xf32, #tpu.memory_space<vmem>>, vector<1x160xf32>
    %get3A_9 = arith.constant 0 : index
    %get3A_10 = arith.constant 0 : index
    %get3A_11 = vector.load %arg1[%get3A_9, %get3A_10] : memref<160x10xf32, #tpu.memory_space<vmem>>, vector<160x10xf32>
    %dot_general3A_12 = arith.constant dense<0.000000e+00> : vector<1x10xf32>
    %dot_general3A_13 = tpu.matmul %get3A_8, %get3A_11, %dot_general3A_12 {dimension_numbers = #tpu.dot_dimension_numbers<[1], [0], [0], [1], [0, 0, 1, 1], [], []>, transpose_lhs_hint = false} : vector<1x160xf32>, vector<160x10xf32>, vector<1x10xf32> -> vector<1x10xf32>
    %get3A_14 = arith.constant 0 : index
    %get3A_15 = arith.constant 0 : index
    %get3A_16 = vector.load %arg2[%get3A_14, %get3A_15] : memref<1x10xf32, #tpu.memory_space<vmem>>, vector<1x10xf32>
    %get3A_17 = arith.constant 0 : index
    %get3A_18 = arith.constant 0 : index
    %get3A_19 = vector.load %arg5[%get3A_17, %get3A_18] : memref<1x10xf32, #tpu.memory_space<vmem>>, vector<1x10xf32>
    %div3A = arith.constant 2.621440e+05 : f32
    %div3A_20 = vector.broadcast %div3A : f32 to vector<1x10xf32>
    %div3A_21 = arith.divf %dot_general3A_5, %div3A_20 : vector<1x10xf32>
    %div3A_22 = arith.constant 2.621440e+05 : f32
    %div3A_23 = vector.broadcast %div3A_22 : f32 to vector<1x10xf32>
    %div3A_24 = arith.divf %dot_general3A_13, %div3A_23 : vector<1x10xf32>
    %mul3A = arith.mulf %div3A_21, %div3A_21 : vector<1x10xf32>
    %sub3A = arith.subf %div3A_24, %mul3A : vector<1x10xf32>
    %add3A = arith.constant 9.99999974E-6 : f32
    %add3A_25 = vector.broadcast %add3A : f32 to vector<1x10xf32>
    %add3A_26 = arith.addf %sub3A, %add3A_25 : vector<1x10xf32>
    %sqrt3A = math.sqrt %add3A_26 : vector<1x10xf32>
    %div3A_27 = arith.divf %get3A_16, %sqrt3A : vector<1x10xf32>
    %mul3A_28 = arith.mulf %div3A_27, %div3A_21 : vector<1x10xf32>
    %sub3A_29 = arith.subf %get3A_19, %mul3A_28 : vector<1x10xf32>
    %swap3A = arith.constant 0 : index
    %swap3A_30 = arith.constant 0 : index
    %swap3A_31 = vector.load %arg8[%swap3A, %swap3A_30] : memref<8x16xf32, #tpu.memory_space<vmem>>, vector<1x10xf32>
    tpu.vector_store %arg8[%swap3A, %swap3A_30], %div3A_27 {strides = array<i32>} : memref<8x16xf32, #tpu.memory_space<vmem>>, vector<1x10xf32>,
    %swap3A_32 = arith.constant 1 : index
    %swap3A_33 = arith.constant 0 : index
    %swap3A_34 = vector.load %arg8[%swap3A_32, %swap3A_33] : memref<8x16xf32, #tpu.memory_space<vmem>>, vector<1x10xf32>
    tpu.vector_store %arg8[%swap3A_32, %swap3A_33], %sub3A_29 {strides = array<i32>} : memref<8x16xf32, #tpu.memory_space<vmem>>, vector<1x10xf32>,
    %get3A_35 = arith.constant 2 : index
    %get3A_36 = arith.constant 0 : index
    %get3A_37 = vector.load %arg0[%get3A_35, %get3A_36] : memref<8x160xf32, #tpu.memory_space<vmem>>, vector<1x160xf32>
    %get3A_38 = arith.constant 0 : index
    %get3A_39 = arith.constant 0 : index
    %get3A_40 = vector.load %arg1[%get3A_38, %get3A_39] : memref<160x10xf32, #tpu.memory_space<vmem>>, vector<160x10xf32>
    %dot_general3A_41 = arith.constant dense<0.000000e+00> : vector<1x10xf32>
    %dot_general3A_42 = tpu.matmul %get3A_37, %get3A_40, %dot_general3A_41 {dimension_numbers = #tpu.dot_dimension_numbers<[1], [0], [0], [1], [0, 0, 1, 1], [], []>, transpose_lhs_hint = false} : vector<1x160xf32>, vector<160x10xf32>, vector<1x10xf32> -> vector<1x10xf32>
    %get3A_43 = arith.constant 3 : index
    %get3A_44 = arith.constant 0 : index
    %get3A_45 = vector.load %arg0[%get3A_43, %get3A_44] : memref<8x160xf32, #tpu.memory_space<vmem>>, vector<1x160xf32>
    %get3A_46 = arith.constant 0 : index
    %get3A_47 = arith.constant 0 : index
    %get3A_48 = vector.load %arg1[%get3A_46, %get3A_47] : memref<160x10xf32, #tpu.memory_space<vmem>>, vector<160x10xf32>
    %dot_general3A_49 = arith.constant dense<0.000000e+00> : vector<1x10xf32>
    %dot_general3A_50 = tpu.matmul %get3A_45, %get3A_48, %dot_general3A_49 {dimension_numbers = #tpu.dot_dimension_numbers<[1], [0], [0], [1], [0, 0, 1, 1], [], []>, transpose_lhs_hint = false} : vector<1x160xf32>, vector<160x10xf32>, vector<1x10xf32> -> vector<1x10xf32>
    %get3A_51 = arith.constant 0 : index
    %get3A_52 = arith.constant 0 : index
    %get3A_53 = vector.load %arg3[%get3A_51, %get3A_52] : memref<1x10xf32, #tpu.memory_space<vmem>>, vector<1x10xf32>
    %get3A_54 = arith.constant 0 : index
    %get3A_55 = arith.constant 0 : index
    %get3A_56 = vector.load %arg6[%get3A_54, %get3A_55] : memref<1x10xf32, #tpu.memory_space<vmem>>, vector<1x10xf32>
    %div3A_57 = arith.constant 2.621440e+05 : f32
    %div3A_58 = vector.broadcast %div3A_57 : f32 to vector<1x10xf32>
    %div3A_59 = arith.divf %dot_general3A_42, %div3A_58 : vector<1x10xf32>
    %div3A_60 = arith.constant 2.621440e+05 : f32
    %div3A_61 = vector.broadcast %div3A_60 : f32 to vector<1x10xf32>
    %div3A_62 = arith.divf %dot_general3A_50, %div3A_61 : vector<1x10xf32>
    %mul3A_63 = arith.mulf %div3A_59, %div3A_59 : vector<1x10xf32>
    %sub3A_64 = arith.subf %div3A_62, %mul3A_63 : vector<1x10xf32>
    %add3A_65 = arith.constant 9.99999974E-6 : f32
    %add3A_66 = vector.broadcast %add3A_65 : f32 to vector<1x10xf32>
    %add3A_67 = arith.addf %sub3A_64, %add3A_66 : vector<1x10xf32>
    %sqrt3A_68 = math.sqrt %add3A_67 : vector<1x10xf32>
    %div3A_69 = arith.divf %get3A_53, %sqrt3A_68 : vector<1x10xf32>
    %mul3A_70 = arith.mulf %div3A_69, %div3A_59 : vector<1x10xf32>
    %sub3A_71 = arith.subf %get3A_56, %mul3A_70 : vector<1x10xf32>
    %swap3A_72 = arith.constant 2 : index
    %swap3A_73 = arith.constant 0 : index
    %swap3A_74 = vector.load %arg8[%swap3A_72, %swap3A_73] : memref<8x16xf32, #tpu.memory_space<vmem>>, vector<1x10xf32>
    tpu.vector_store %arg8[%swap3A_72, %swap3A_73], %div3A_69 {strides = array<i32>} : memref<8x16xf32, #tpu.memory_space<vmem>>, vector<1x10xf32>,
    %swap3A_75 = arith.constant 3 : index
    %swap3A_76 = arith.constant 0 : index
    %swap3A_77 = vector.load %arg8[%swap3A_75, %swap3A_76] : memref<8x16xf32, #tpu.memory_space<vmem>>, vector<1x10xf32>
    tpu.vector_store %arg8[%swap3A_75, %swap3A_76], %sub3A_71 {strides = array<i32>} : memref<8x16xf32, #tpu.memory_space<vmem>>, vector<1x10xf32>,
    %get3A_78 = arith.constant 4 : index
    %get3A_79 = arith.constant 0 : index
    %get3A_80 = vector.load %arg0[%get3A_78, %get3A_79] : memref<8x160xf32, #tpu.memory_space<vmem>>, vector<1x160xf32>
    %get3A_81 = arith.constant 0 : index
    %get3A_82 = arith.constant 0 : index
    %get3A_83 = vector.load %arg1[%get3A_81, %get3A_82] : memref<160x10xf32, #tpu.memory_space<vmem>>, vector<160x10xf32>
    %dot_general3A_84 = arith.constant dense<0.000000e+00> : vector<1x10xf32>
    %dot_general3A_85 = tpu.matmul %get3A_80, %get3A_83, %dot_general3A_84 {dimension_numbers = #tpu.dot_dimension_numbers<[1], [0], [0], [1], [0, 0, 1, 1], [], []>, transpose_lhs_hint = false} : vector<1x160xf32>, vector<160x10xf32>, vector<1x10xf32> -> vector<1x10xf32>
    %get3A_86 = arith.constant 5 : index
    %get3A_87 = arith.constant 0 : index
    %get3A_88 = vector.load %arg0[%get3A_86, %get3A_87] : memref<8x160xf32, #tpu.memory_space<vmem>>, vector<1x160xf32>
    %get3A_89 = arith.constant 0 : index
    %get3A_90 = arith.constant 0 : index
    %get3A_91 = vector.load %arg1[%get3A_89, %get3A_90] : memref<160x10xf32, #tpu.memory_space<vmem>>, vector<160x10xf32>
    %dot_general3A_92 = arith.constant dense<0.000000e+00> : vector<1x10xf32>
    %dot_general3A_93 = tpu.matmul %get3A_88, %get3A_91, %dot_general3A_92 {dimension_numbers = #tpu.dot_dimension_numbers<[1], [0], [0], [1], [0, 0, 1, 1], [], []>, transpose_lhs_hint = false} : vector<1x160xf32>, vector<160x10xf32>, vector<1x10xf32> -> vector<1x10xf32>
    %get3A_94 = arith.constant 0 : index
    %get3A_95 = arith.constant 0 : index
    %get3A_96 = vector.load %arg4[%get3A_94, %get3A_95] : memref<1x10xf32, #tpu.memory_space<vmem>>, vector<1x10xf32>
    %get3A_97 = arith.constant 0 : index
    %get3A_98 = arith.constant 0 : index
    %get3A_99 = vector.load %arg7[%get3A_97, %get3A_98] : memref<1x10xf32, #tpu.memory_space<vmem>>, vector<1x10xf32>
    %div3A_100 = arith.constant 2.621440e+05 : f32
    %div3A_101 = vector.broadcast %div3A_100 : f32 to vector<1x10xf32>
    %div3A_102 = arith.divf %dot_general3A_85, %div3A_101 : vector<1x10xf32>
    %div3A_103 = arith.constant 2.621440e+05 : f32
    %div3A_104 = vector.broadcast %div3A_103 : f32 to vector<1x10xf32>
    %div3A_105 = arith.divf %dot_general3A_93, %div3A_104 : vector<1x10xf32>
    %mul3A_106 = arith.mulf %div3A_102, %div3A_102 : vector<1x10xf32>
    %sub3A_107 = arith.subf %div3A_105, %mul3A_106 : vector<1x10xf32>
    %add3A_108 = arith.constant 9.99999974E-6 : f32
    %add3A_109 = vector.broadcast %add3A_108 : f32 to vector<1x10xf32>
    %add3A_110 = arith.addf %sub3A_107, %add3A_109 : vector<1x10xf32>
    %sqrt3A_111 = math.sqrt %add3A_110 : vector<1x10xf32>
    %div3A_112 = arith.divf %get3A_96, %sqrt3A_111 : vector<1x10xf32>
    %mul3A_113 = arith.mulf %div3A_112, %div3A_102 : vector<1x10xf32>
    %sub3A_114 = arith.subf %get3A_99, %mul3A_113 : vector<1x10xf32>
    %swap3A_115 = arith.constant 4 : index
    %swap3A_116 = arith.constant 0 : index
    %swap3A_117 = vector.load %arg8[%swap3A_115, %swap3A_116] : memref<8x16xf32, #tpu.memory_space<vmem>>, vector<1x10xf32>
    tpu.vector_store %arg8[%swap3A_115, %swap3A_116], %div3A_112 {strides = array<i32>} : memref<8x16xf32, #tpu.memory_space<vmem>>, vector<1x10xf32>,
    %swap3A_118 = arith.constant 5 : index
    %swap3A_119 = arith.constant 0 : index
    %swap3A_120 = vector.load %arg8[%swap3A_118, %swap3A_119] : memref<8x16xf32, #tpu.memory_space<vmem>>, vector<1x10xf32>
    tpu.vector_store %arg8[%swap3A_118, %swap3A_119], %sub3A_114 {strides = array<i32>} : memref<8x16xf32, #tpu.memory_space<vmem>>, vector<1x10xf32>,
    return
  }
}

module attributes {stable_mosaic.version = 14 : i64} {
  func.func @body(%arg0: i32, %arg1: memref<256x64xf32, #tpu.memory_space<vmem>>, %arg2: memref<256x64xf32, #tpu.memory_space<vmem>>, %arg3: memref<256x4xf32, #tpu.memory_space<vmem>>, %arg4: memref<256x16x32xf32, #tpu.memory_space<vmem>>, %arg5: memref<256x16x32xf32, #tpu.memory_space<vmem>>, %arg6: memref<8x16xf32, #tpu.memory_space<vmem>>, %arg7: memref<4x64xf32, #tpu.memory_space<vmem>>, %arg8: memref<64x16xf32, #tpu.memory_space<vmem>>, %arg9: memref<10x160xf32, #tpu.memory_space<vmem>>, %arg10: memref<64x160xf32, #tpu.memory_space<vmem>>, %arg11: memref<16x160xf32, #tpu.memory_space<vmem>>, %arg12: memref<4x160xf32, #tpu.memory_space<vmem>>, %arg13: memref<64x160xf32, #tpu.memory_space<vmem>>, %arg14: memref<16x160xf32, #tpu.memory_space<vmem>>, %arg15: memref<4x160xf32, #tpu.memory_space<vmem>>, %arg16: memref<42x42xf32, #tpu.memory_space<vmem>>, %arg17: memref<32x42xf32, #tpu.memory_space<vmem>>, %arg18: memref<256x32xf32, #tpu.memory_space<vmem>>, %arg19: memref<8x32xf32, #tpu.memory_space<vmem>>, %arg20: memref<8x32xf32, #tpu.memory_space<vmem>>) attributes {dimension_semantics = [#tpu.dimension_semantics<arbitrary>], iteration_bounds = array<i64: 64>, scalar_prefetch = 0 : i64, scratch_operands = 1 : i64, tpu.core_type = #tpu.core_type<tc>, window_params = [{transform_indices = @transform_0, window_bounds = array<i64: 256, 64>}, {transform_indices = @transform_1, window_bounds = array<i64: 256, 64>}, {transform_indices = @transform_2, window_bounds = array<i64: 256, 4>}, {transform_indices = @transform_3, window_bounds = array<i64: 256, 16, 32>}, {transform_indices = @transform_4, window_bounds = array<i64: 256, 16, 32>}, {pipeline_mode = #tpu.pipeline_mode<synchronous>, transform_indices = @transform_5, window_bounds = array<i64: 8, 16>}, {pipeline_mode = #tpu.pipeline_mode<synchronous>, transform_indices = @transform_6, window_bounds = array<i64: 4, 64>}, {pipeline_mode = #tpu.pipeline_mode<synchronous>, transform_indices = @transform_7, window_bounds = array<i64: 64, 16>}, {pipeline_mode = #tpu.pipeline_mode<synchronous>, transform_indices = @transform_8, window_bounds = array<i64: 10, 160>}, {pipeline_mode = #tpu.pipeline_mode<synchronous>, transform_indices = @transform_9, window_bounds = array<i64: 64, 160>}, {pipeline_mode = #tpu.pipeline_mode<synchronous>, transform_indices = @transform_10, window_bounds = array<i64: 16, 160>}, {pipeline_mode = #tpu.pipeline_mode<synchronous>, transform_indices = @transform_11, window_bounds = array<i64: 4, 160>}, {pipeline_mode = #tpu.pipeline_mode<synchronous>, transform_indices = @transform_12, window_bounds = array<i64: 64, 160>}, {pipeline_mode = #tpu.pipeline_mode<synchronous>, transform_indices = @transform_13, window_bounds = array<i64: 16, 160>}, {pipeline_mode = #tpu.pipeline_mode<synchronous>, transform_indices = @transform_14, window_bounds = array<i64: 4, 160>}, {pipeline_mode = #tpu.pipeline_mode<synchronous>, transform_indices = @transform_15, window_bounds = array<i64: 42, 42>}, {pipeline_mode = #tpu.pipeline_mode<synchronous>, transform_indices = @transform_16, window_bounds = array<i64: 32, 42>}, {transform_indices = @transform_17, window_bounds = array<i64: 256, 32>}, {pipeline_mode = #tpu.pipeline_mode<synchronous>, transform_indices = @transform_18, window_bounds = array<i64: 8, 32>}]} {
    %eq3A = arith.constant 0 : i32
    %eq3A_0 = arith.cmpi eq, %arg0, %eq3A : i32
    %convert_element_type3A = arith.extui %eq3A_0 : i1 to i32
    %cond3A = arith.constant 0 : i32
    %cond3A_1 = arith.cmpi ne, %convert_element_type3A, %cond3A : i32
    scf.if %cond3A_1 {
      %broadcast_in_dim3A_167 = arith.constant 0.000000e+00 : f32
      %broadcast_in_dim3A_168 = vector.broadcast %broadcast_in_dim3A_167 : f32 to vector<8x32xf32>
      %swap3A_169 = arith.constant 0 : index
      %swap3A_170 = arith.constant 0 : index
      %swap3A_171 = vector.load %arg20[%swap3A_169, %swap3A_170] : memref<8x32xf32, #tpu.memory_space<vmem>>, vector<8x32xf32>
      tpu.vector_store %arg20[%swap3A_169, %swap3A_170], %broadcast_in_dim3A_168 {strides = array<i32>} : memref<8x32xf32, #tpu.memory_space<vmem>>, vector<8x32xf32>,
    } else {
    }
    %get3A = arith.constant 0 : index
    %get3A_2 = arith.constant 0 : index
    %get3A_3 = vector.load %arg7[%get3A, %get3A_2] : memref<4x64xf32, #tpu.memory_space<vmem>>, vector<4x64xf32>
    %get3A_4 = arith.constant 0 : index
    %get3A_5 = arith.constant 0 : index
    %get3A_6 = vector.load %arg8[%get3A_4, %get3A_5] : memref<64x16xf32, #tpu.memory_space<vmem>>, vector<64x16xf32>
    %get3A_7 = arith.constant 0 : index
    %get3A_8 = arith.constant 0 : index
    %get3A_9 = vector.load %arg10[%get3A_7, %get3A_8] : memref<64x160xf32, #tpu.memory_space<vmem>>, vector<64x160xf32>
    %get3A_10 = arith.constant 0 : index
    %get3A_11 = arith.constant 0 : index
    %get3A_12 = vector.load %arg11[%get3A_10, %get3A_11] : memref<16x160xf32, #tpu.memory_space<vmem>>, vector<16x160xf32>
    %get3A_13 = arith.constant 0 : index
    %get3A_14 = arith.constant 0 : index
    %get3A_15 = vector.load %arg12[%get3A_13, %get3A_14] : memref<4x160xf32, #tpu.memory_space<vmem>>, vector<4x160xf32>
    %get3A_16 = arith.constant 0 : index
    %get3A_17 = arith.constant 0 : index
    %get3A_18 = vector.load %arg1[%get3A_16, %get3A_17] : memref<256x64xf32, #tpu.memory_space<vmem>>, vector<256x64xf32>
    %get3A_19 = arith.constant 0 : index
    %get3A_20 = arith.constant 0 : index
    %get3A_21 = vector.load %arg3[%get3A_19, %get3A_20] : memref<256x4xf32, #tpu.memory_space<vmem>>, vector<256x4xf32>
    %dot_general3A = arith.constant dense<0.000000e+00> : vector<256x64xf32>
    %dot_general3A_22 = tpu.matmul %get3A_21, %get3A_3, %dot_general3A {dimension_numbers = #tpu.dot_dimension_numbers<[1], [0], [0], [1], [0, 0, 1, 1], [], []>, transpose_lhs_hint = false} : vector<256x4xf32>, vector<4x64xf32>, vector<256x64xf32> -> vector<256x64xf32>
    %sub3A = arith.subf %dot_general3A_22, %get3A_18 : vector<256x64xf32>
    %mul3A = arith.mulf %sub3A, %sub3A : vector<256x64xf32>
    %dot_general3A_23 = arith.constant dense<0.000000e+00> : vector<256x16xf32>
    %dot_general3A_24 = tpu.matmul %mul3A, %get3A_6, %dot_general3A_23 {dimension_numbers = #tpu.dot_dimension_numbers<[1], [0], [0], [1], [0, 0, 1, 1], [], []>, transpose_lhs_hint = false} : vector<256x64xf32>, vector<64x16xf32>, vector<256x16xf32> -> vector<256x16xf32>
    %sqrt3A = math.sqrt %dot_general3A_24 : vector<256x16xf32>
    %dot_general3A_25 = arith.constant dense<0.000000e+00> : vector<256x160xf32>
    %dot_general3A_26 = tpu.matmul %get3A_18, %get3A_9, %dot_general3A_25 {dimension_numbers = #tpu.dot_dimension_numbers<[1], [0], [0], [1], [0, 0, 1, 1], [], []>, transpose_lhs_hint = false} : vector<256x64xf32>, vector<64x160xf32>, vector<256x160xf32> -> vector<256x160xf32>
    %dot_general3A_27 = arith.constant dense<0.000000e+00> : vector<256x160xf32>
    %dot_general3A_28 = tpu.matmul %sqrt3A, %get3A_12, %dot_general3A_27 {dimension_numbers = #tpu.dot_dimension_numbers<[1], [0], [0], [1], [0, 0, 1, 1], [], []>, transpose_lhs_hint = false} : vector<256x16xf32>, vector<16x160xf32>, vector<256x160xf32> -> vector<256x160xf32>
    %add3A = arith.addf %dot_general3A_26, %dot_general3A_28 : vector<256x160xf32>
    %dot_general3A_29 = arith.constant dense<0.000000e+00> : vector<256x160xf32>
    %dot_general3A_30 = tpu.matmul %get3A_21, %get3A_15, %dot_general3A_29 {dimension_numbers = #tpu.dot_dimension_numbers<[1], [0], [0], [1], [0, 0, 1, 1], [], []>, transpose_lhs_hint = false} : vector<256x4xf32>, vector<4x160xf32>, vector<256x160xf32> -> vector<256x160xf32>
    %add3A_31 = arith.addf %add3A, %dot_general3A_30 : vector<256x160xf32>
    %get3A_32 = arith.constant 0 : index
    %get3A_33 = arith.constant 0 : index
    %get3A_34 = vector.load %arg6[%get3A_32, %get3A_33] : memref<8x16xf32, #tpu.memory_space<vmem>>, vector<1x10xf32>
    %get3A_35 = arith.constant 0 : index
    %get3A_36 = arith.constant 0 : index
    %get3A_37 = vector.load %arg9[%get3A_35, %get3A_36] : memref<10x160xf32, #tpu.memory_space<vmem>>, vector<10x160xf32>
    %dot_general3A_38 = arith.constant dense<0.000000e+00> : vector<1x160xf32>
    %dot_general3A_39 = tpu.matmul %get3A_34, %get3A_37, %dot_general3A_38 {dimension_numbers = #tpu.dot_dimension_numbers<[1], [0], [0], [1], [0, 0, 1, 1], [], []>, transpose_lhs_hint = false} : vector<1x10xf32>, vector<10x160xf32>, vector<1x160xf32> -> vector<1x160xf32>
    %get3A_40 = arith.constant 1 : index
    %get3A_41 = arith.constant 0 : index
    %get3A_42 = vector.load %arg6[%get3A_40, %get3A_41] : memref<8x16xf32, #tpu.memory_space<vmem>>, vector<1x10xf32>
    %get3A_43 = arith.constant 0 : index
    %get3A_44 = arith.constant 0 : index
    %get3A_45 = vector.load %arg9[%get3A_43, %get3A_44] : memref<10x160xf32, #tpu.memory_space<vmem>>, vector<10x160xf32>
    %dot_general3A_46 = arith.constant dense<0.000000e+00> : vector<1x160xf32>
    %dot_general3A_47 = tpu.matmul %get3A_42, %get3A_45, %dot_general3A_46 {dimension_numbers = #tpu.dot_dimension_numbers<[1], [0], [0], [1], [0, 0, 1, 1], [], []>, transpose_lhs_hint = false} : vector<1x10xf32>, vector<10x160xf32>, vector<1x160xf32> -> vector<1x160xf32>
    %mul3A_48 = vector.broadcast %dot_general3A_39 : vector<1x160xf32> to vector<256x160xf32>
    %mul3A_49 = arith.mulf %add3A_31, %mul3A_48 : vector<256x160xf32>
    %add3A_50 = vector.broadcast %dot_general3A_47 : vector<1x160xf32> to vector<256x160xf32>
    %add3A_51 = arith.addf %mul3A_49, %add3A_50 : vector<256x160xf32>
    %max3A = arith.constant 0.000000e+00 : f32
    %max3A_52 = vector.broadcast %max3A : f32 to vector<256x160xf32>
    %max3A_53 = arith.maximumf %add3A_51, %max3A_52 : vector<256x160xf32>
    %reshape3A = vector.shape_cast %max3A_53 : vector<256x160xf32> to vector<256x16x10xf32>
    %get3A_54 = arith.constant 0 : index
    %get3A_55 = arith.constant 0 : index
    %get3A_56 = arith.constant 0 : index
    %get3A_57 = vector.load %arg4[%get3A_54, %get3A_55, %get3A_56] : memref<256x16x32xf32, #tpu.memory_space<vmem>>, vector<256x16x32xf32>
    %concatenate3A = tpu.concatenate %get3A_57, %reshape3A in 2 : vector<256x16x32xf32>, vector<256x16x10xf32> -> vector<256x16x42xf32>
    %get3A_58 = arith.constant 0 : index
    %get3A_59 = arith.constant 0 : index
    %get3A_60 = vector.load %arg7[%get3A_58, %get3A_59] : memref<4x64xf32, #tpu.memory_space<vmem>>, vector<4x64xf32>
    %get3A_61 = arith.constant 0 : index
    %get3A_62 = arith.constant 0 : index
    %get3A_63 = vector.load %arg8[%get3A_61, %get3A_62] : memref<64x16xf32, #tpu.memory_space<vmem>>, vector<64x16xf32>
    %get3A_64 = arith.constant 0 : index
    %get3A_65 = arith.constant 0 : index
    %get3A_66 = vector.load %arg13[%get3A_64, %get3A_65] : memref<64x160xf32, #tpu.memory_space<vmem>>, vector<64x160xf32>
    %get3A_67 = arith.constant 0 : index
    %get3A_68 = arith.constant 0 : index
    %get3A_69 = vector.load %arg14[%get3A_67, %get3A_68] : memref<16x160xf32, #tpu.memory_space<vmem>>, vector<16x160xf32>
    %get3A_70 = arith.constant 0 : index
    %get3A_71 = arith.constant 0 : index
    %get3A_72 = vector.load %arg15[%get3A_70, %get3A_71] : memref<4x160xf32, #tpu.memory_space<vmem>>, vector<4x160xf32>
    %get3A_73 = arith.constant 0 : index
    %get3A_74 = arith.constant 0 : index
    %get3A_75 = vector.load %arg2[%get3A_73, %get3A_74] : memref<256x64xf32, #tpu.memory_space<vmem>>, vector<256x64xf32>
    %get3A_76 = arith.constant 0 : index
    %get3A_77 = arith.constant 0 : index
    %get3A_78 = vector.load %arg3[%get3A_76, %get3A_77] : memref<256x4xf32, #tpu.memory_space<vmem>>, vector<256x4xf32>
    %dot_general3A_79 = arith.constant dense<0.000000e+00> : vector<256x64xf32>
    %dot_general3A_80 = tpu.matmul %get3A_78, %get3A_60, %dot_general3A_79 {dimension_numbers = #tpu.dot_dimension_numbers<[1], [0], [0], [1], [0, 0, 1, 1], [], []>, transpose_lhs_hint = false} : vector<256x4xf32>, vector<4x64xf32>, vector<256x64xf32> -> vector<256x64xf32>
    %sub3A_81 = arith.subf %dot_general3A_80, %get3A_75 : vector<256x64xf32>
    %mul3A_82 = arith.mulf %sub3A_81, %sub3A_81 : vector<256x64xf32>
    %dot_general3A_83 = arith.constant dense<0.000000e+00> : vector<256x16xf32>
    %dot_general3A_84 = tpu.matmul %mul3A_82, %get3A_63, %dot_general3A_83 {dimension_numbers = #tpu.dot_dimension_numbers<[1], [0], [0], [1], [0, 0, 1, 1], [], []>, transpose_lhs_hint = false} : vector<256x64xf32>, vector<64x16xf32>, vector<256x16xf32> -> vector<256x16xf32>
    %sqrt3A_85 = math.sqrt %dot_general3A_84 : vector<256x16xf32>
    %dot_general3A_86 = arith.constant dense<0.000000e+00> : vector<256x160xf32>
    %dot_general3A_87 = tpu.matmul %get3A_75, %get3A_66, %dot_general3A_86 {dimension_numbers = #tpu.dot_dimension_numbers<[1], [0], [0], [1], [0, 0, 1, 1], [], []>, transpose_lhs_hint = false} : vector<256x64xf32>, vector<64x160xf32>, vector<256x160xf32> -> vector<256x160xf32>
    %dot_general3A_88 = arith.constant dense<0.000000e+00> : vector<256x160xf32>
    %dot_general3A_89 = tpu.matmul %sqrt3A_85, %get3A_69, %dot_general3A_88 {dimension_numbers = #tpu.dot_dimension_numbers<[1], [0], [0], [1], [0, 0, 1, 1], [], []>, transpose_lhs_hint = false} : vector<256x16xf32>, vector<16x160xf32>, vector<256x160xf32> -> vector<256x160xf32>
    %add3A_90 = arith.addf %dot_general3A_87, %dot_general3A_89 : vector<256x160xf32>
    %dot_general3A_91 = arith.constant dense<0.000000e+00> : vector<256x160xf32>
    %dot_general3A_92 = tpu.matmul %get3A_78, %get3A_72, %dot_general3A_91 {dimension_numbers = #tpu.dot_dimension_numbers<[1], [0], [0], [1], [0, 0, 1, 1], [], []>, transpose_lhs_hint = false} : vector<256x4xf32>, vector<4x160xf32>, vector<256x160xf32> -> vector<256x160xf32>
    %add3A_93 = arith.addf %add3A_90, %dot_general3A_92 : vector<256x160xf32>
    %get3A_94 = arith.constant 2 : index
    %get3A_95 = arith.constant 0 : index
    %get3A_96 = vector.load %arg6[%get3A_94, %get3A_95] : memref<8x16xf32, #tpu.memory_space<vmem>>, vector<1x10xf32>
    %get3A_97 = arith.constant 0 : index
    %get3A_98 = arith.constant 0 : index
    %get3A_99 = vector.load %arg9[%get3A_97, %get3A_98] : memref<10x160xf32, #tpu.memory_space<vmem>>, vector<10x160xf32>
    %dot_general3A_100 = arith.constant dense<0.000000e+00> : vector<1x160xf32>
    %dot_general3A_101 = tpu.matmul %get3A_96, %get3A_99, %dot_general3A_100 {dimension_numbers = #tpu.dot_dimension_numbers<[1], [0], [0], [1], [0, 0, 1, 1], [], []>, transpose_lhs_hint = false} : vector<1x10xf32>, vector<10x160xf32>, vector<1x160xf32> -> vector<1x160xf32>
    %get3A_102 = arith.constant 3 : index
    %get3A_103 = arith.constant 0 : index
    %get3A_104 = vector.load %arg6[%get3A_102, %get3A_103] : memref<8x16xf32, #tpu.memory_space<vmem>>, vector<1x10xf32>
    %get3A_105 = arith.constant 0 : index
    %get3A_106 = arith.constant 0 : index
    %get3A_107 = vector.load %arg9[%get3A_105, %get3A_106] : memref<10x160xf32, #tpu.memory_space<vmem>>, vector<10x160xf32>
    %dot_general3A_108 = arith.constant dense<0.000000e+00> : vector<1x160xf32>
    %dot_general3A_109 = tpu.matmul %get3A_104, %get3A_107, %dot_general3A_108 {dimension_numbers = #tpu.dot_dimension_numbers<[1], [0], [0], [1], [0, 0, 1, 1], [], []>, transpose_lhs_hint = false} : vector<1x10xf32>, vector<10x160xf32>, vector<1x160xf32> -> vector<1x160xf32>
    %mul3A_110 = vector.broadcast %dot_general3A_101 : vector<1x160xf32> to vector<256x160xf32>
    %mul3A_111 = arith.mulf %add3A_93, %mul3A_110 : vector<256x160xf32>
    %add3A_112 = vector.broadcast %dot_general3A_109 : vector<1x160xf32> to vector<256x160xf32>
    %add3A_113 = arith.addf %mul3A_111, %add3A_112 : vector<256x160xf32>
    %max3A_114 = arith.constant 0.000000e+00 : f32
    %max3A_115 = vector.broadcast %max3A_114 : f32 to vector<256x160xf32>
    %max3A_116 = arith.maximumf %add3A_113, %max3A_115 : vector<256x160xf32>
    %reshape3A_117 = vector.shape_cast %max3A_116 : vector<256x160xf32> to vector<256x16x10xf32>
    %get3A_118 = arith.constant 0 : index
    %get3A_119 = arith.constant 0 : index
    %get3A_120 = arith.constant 0 : index
    %get3A_121 = vector.load %arg5[%get3A_118, %get3A_119, %get3A_120] : memref<256x16x32xf32, #tpu.memory_space<vmem>>, vector<256x16x32xf32>
    %concatenate3A_122 = tpu.concatenate %get3A_121, %reshape3A_117 in 2 : vector<256x16x32xf32>, vector<256x16x10xf32> -> vector<256x16x42xf32>
    %concatenate3A_123 = tpu.concatenate %concatenate3A, %concatenate3A_122 in 1 : vector<256x16x42xf32>, vector<256x16x42xf32> -> vector<256x32x42xf32>
    %reshape3A_124 = vector.shape_cast %concatenate3A_123 : vector<256x32x42xf32> to vector<8192x42xf32>
    %get3A_125 = arith.constant 0 : index
    %get3A_126 = arith.constant 0 : index
    %get3A_127 = vector.load %arg16[%get3A_125, %get3A_126] : memref<42x42xf32, #tpu.memory_space<vmem>>, vector<42x42xf32>
    %dot_general3A_128 = arith.constant dense<0.000000e+00> : vector<8192x42xf32>
    %dot_general3A_129 = tpu.matmul %reshape3A_124, %get3A_127, %dot_general3A_128 {dimension_numbers = #tpu.dot_dimension_numbers<[1], [1], [0], [0], [0, 0, 1, 0], [], []>, transpose_lhs_hint = false} : vector<8192x42xf32>, vector<42x42xf32>, vector<8192x42xf32> -> vector<8192x42xf32>
    %reshape3A_130 = vector.shape_cast %dot_general3A_129 : vector<8192x42xf32> to vector<256x32x42xf32>
    %exp3A = math.exp %reshape3A_130 : vector<256x32x42xf32>
    %reduce_sum3A = arith.constant dense<0.000000e+00> : vector<256x42xf32>
    %reduce_sum3A_131 = vector.multi_reduction <add>, %exp3A, %reduce_sum3A [1] : vector<256x32x42xf32> to vector<256x42xf32>
    %mul3A_132 = arith.mulf %concatenate3A_123, %exp3A : vector<256x32x42xf32>
    %reduce_sum3A_133 = arith.constant dense<0.000000e+00> : vector<256x42xf32>
    %reduce_sum3A_134 = vector.multi_reduction <add>, %mul3A_132, %reduce_sum3A_133 [1] : vector<256x32x42xf32> to vector<256x42xf32>
    %div3A = arith.divf %reduce_sum3A_134, %reduce_sum3A_131 : vector<256x42xf32>
    %get3A_135 = arith.constant 0 : index
    %get3A_136 = arith.constant 0 : index
    %get3A_137 = vector.load %arg17[%get3A_135, %get3A_136] : memref<32x42xf32, #tpu.memory_space<vmem>>, vector<32x42xf32>
    %dot_general3A_138 = arith.constant dense<0.000000e+00> : vector<256x32xf32>
    %dot_general3A_139 = tpu.matmul %div3A, %get3A_137, %dot_general3A_138 {dimension_numbers = #tpu.dot_dimension_numbers<[1], [1], [0], [0], [0, 0, 1, 0], [], []>, transpose_lhs_hint = false} : vector<256x42xf32>, vector<32x42xf32>, vector<256x32xf32> -> vector<256x32xf32>
    %swap3A = arith.constant 0 : index
    %swap3A_140 = arith.constant 0 : index
    %swap3A_141 = vector.load %arg18[%swap3A, %swap3A_140] : memref<256x32xf32, #tpu.memory_space<vmem>>, vector<256x32xf32>
    tpu.vector_store %arg18[%swap3A, %swap3A_140], %dot_general3A_139 {strides = array<i32>} : memref<256x32xf32, #tpu.memory_space<vmem>>, vector<256x32xf32>,
    %get3A_142 = arith.constant 0 : index
    %get3A_143 = arith.constant 0 : index
    %get3A_144 = vector.load %arg20[%get3A_142, %get3A_143] : memref<8x32xf32, #tpu.memory_space<vmem>>, vector<1x32xf32>
    %reduce_sum3A_145 = arith.constant dense<0.000000e+00> : vector<32xf32>
    %reduce_sum3A_146 = vector.multi_reduction <add>, %dot_general3A_139, %reduce_sum3A_145 [0] : vector<256x32xf32> to vector<32xf32>
    %broadcast_in_dim3A = vector.shape_cast %reduce_sum3A_146 : vector<32xf32> to vector<1x32xf32>
    %add3A_147 = arith.addf %get3A_144, %broadcast_in_dim3A : vector<1x32xf32>
    %swap3A_148 = arith.constant 0 : index
    %swap3A_149 = arith.constant 0 : index
    %swap3A_150 = vector.load %arg20[%swap3A_148, %swap3A_149] : memref<8x32xf32, #tpu.memory_space<vmem>>, vector<1x32xf32>
    tpu.vector_store %arg20[%swap3A_148, %swap3A_149], %add3A_147 {strides = array<i32>} : memref<8x32xf32, #tpu.memory_space<vmem>>, vector<1x32xf32>,
    %get3A_151 = arith.constant 1 : index
    %get3A_152 = arith.constant 0 : index
    %get3A_153 = vector.load %arg20[%get3A_151, %get3A_152] : memref<8x32xf32, #tpu.memory_space<vmem>>, vector<1x32xf32>
    %mul3A_154 = arith.mulf %dot_general3A_139, %dot_general3A_139 : vector<256x32xf32>
    %reduce_sum3A_155 = arith.constant dense<0.000000e+00> : vector<32xf32>
    %reduce_sum3A_156 = vector.multi_reduction <add>, %mul3A_154, %reduce_sum3A_155 [0] : vector<256x32xf32> to vector<32xf32>
    %broadcast_in_dim3A_157 = vector.shape_cast %reduce_sum3A_156 : vector<32xf32> to vector<1x32xf32>
    %add3A_158 = arith.addf %get3A_153, %broadcast_in_dim3A_157 : vector<1x32xf32>
    %swap3A_159 = arith.constant 1 : index
    %swap3A_160 = arith.constant 0 : index
    %swap3A_161 = vector.load %arg20[%swap3A_159, %swap3A_160] : memref<8x32xf32, #tpu.memory_space<vmem>>, vector<1x32xf32>
    tpu.vector_store %arg20[%swap3A_159, %swap3A_160], %add3A_158 {strides = array<i32>} : memref<8x32xf32, #tpu.memory_space<vmem>>, vector<1x32xf32>,
    %eq3A_162 = arith.constant 63 : i32
    %eq3A_163 = arith.cmpi eq, %arg0, %eq3A_162 : i32
    %convert_element_type3A_164 = arith.extui %eq3A_163 : i1 to i32
    %cond3A_165 = arith.constant 0 : i32
    %cond3A_166 = arith.cmpi ne, %convert_element_type3A_164, %cond3A_165 : i32
    scf.if %cond3A_166 {
      %get3A_167 = arith.constant 0 : index
      %get3A_168 = arith.constant 0 : index
      %get3A_169 = vector.load %arg20[%get3A_167, %get3A_168] : memref<8x32xf32, #tpu.memory_space<vmem>>, vector<8x32xf32>
      %swap3A_170 = arith.constant 0 : index
      %swap3A_171 = arith.constant 0 : index
      %swap3A_172 = vector.load %arg19[%swap3A_170, %swap3A_171] : memref<8x32xf32, #tpu.memory_space<vmem>>, vector<8x32xf32>
      tpu.vector_store %arg19[%swap3A_170, %swap3A_171], %get3A_169 {strides = array<i32>} : memref<8x32xf32, #tpu.memory_space<vmem>>, vector<8x32xf32>,
    } else {
    }
    return
  }
  func.func @transform_0(%arg0: i32) -> (i32, i32) {
    %c0_i32 = arith.constant 0 : i32
    %c0_i32_0 = arith.constant 0 : i32
    return %arg0, %c0_i32 : i32, i32
  }
  func.func @transform_1(%arg0: i32) -> (i32, i32) {
    %c0_i32 = arith.constant 0 : i32
    %c0_i32_0 = arith.constant 0 : i32
    return %arg0, %c0_i32 : i32, i32
  }
  func.func @transform_2(%arg0: i32) -> (i32, i32) {
    %c0_i32 = arith.constant 0 : i32
    %c0_i32_0 = arith.constant 0 : i32
    return %arg0, %c0_i32 : i32, i32
  }
  func.func @transform_3(%arg0: i32) -> (i32, i32, i32) {
    %c0_i32 = arith.constant 0 : i32
    %c0_i32_0 = arith.constant 0 : i32
    %c0_i32_1 = arith.constant 0 : i32
    return %arg0, %c0_i32, %c0_i32_0 : i32, i32, i32
  }
  func.func @transform_4(%arg0: i32) -> (i32, i32, i32) {
    %c0_i32 = arith.constant 0 : i32
    %c0_i32_0 = arith.constant 0 : i32
    %c0_i32_1 = arith.constant 0 : i32
    return %arg0, %c0_i32, %c0_i32_0 : i32, i32, i32
  }
  func.func @transform_5(%arg0: i32) -> (i32, i32) {
    %c0_i32 = arith.constant 0 : i32
    %c0_i32_0 = arith.constant 0 : i32
    %c0_i32_1 = arith.constant 0 : i32
    return %c0_i32, %c0_i32_0 : i32, i32
  }
  func.func @transform_6(%arg0: i32) -> (i32, i32) {
    %c0_i32 = arith.constant 0 : i32
    %c0_i32_0 = arith.constant 0 : i32
    %c0_i32_1 = arith.constant 0 : i32
    return %c0_i32, %c0_i32_0 : i32, i32
  }
  func.func @transform_7(%arg0: i32) -> (i32, i32) {
    %c0_i32 = arith.constant 0 : i32
    %c0_i32_0 = arith.constant 0 : i32
    %c0_i32_1 = arith.constant 0 : i32
    return %c0_i32, %c0_i32_0 : i32, i32
  }
  func.func @transform_8(%arg0: i32) -> (i32, i32) {
    %c0_i32 = arith.constant 0 : i32
    %c0_i32_0 = arith.constant 0 : i32
    %c0_i32_1 = arith.constant 0 : i32
    return %c0_i32, %c0_i32_0 : i32, i32
  }
  func.func @transform_9(%arg0: i32) -> (i32, i32) {
    %c0_i32 = arith.constant 0 : i32
    %c0_i32_0 = arith.constant 0 : i32
    %c0_i32_1 = arith.constant 0 : i32
    return %c0_i32, %c0_i32_0 : i32, i32
  }
  func.func @transform_10(%arg0: i32) -> (i32, i32) {
    %c0_i32 = arith.constant 0 : i32
    %c0_i32_0 = arith.constant 0 : i32
    %c0_i32_1 = arith.constant 0 : i32
    return %c0_i32, %c0_i32_0 : i32, i32
  }
  func.func @transform_11(%arg0: i32) -> (i32, i32) {
    %c0_i32 = arith.constant 0 : i32
    %c0_i32_0 = arith.constant 0 : i32
    %c0_i32_1 = arith.constant 0 : i32
    return %c0_i32, %c0_i32_0 : i32, i32
  }
  func.func @transform_12(%arg0: i32) -> (i32, i32) {
    %c0_i32 = arith.constant 0 : i32
    %c0_i32_0 = arith.constant 0 : i32
    %c0_i32_1 = arith.constant 0 : i32
    return %c0_i32, %c0_i32_0 : i32, i32
  }
  func.func @transform_13(%arg0: i32) -> (i32, i32) {
    %c0_i32 = arith.constant 0 : i32
    %c0_i32_0 = arith.constant 0 : i32
    %c0_i32_1 = arith.constant 0 : i32
    return %c0_i32, %c0_i32_0 : i32, i32
  }
  func.func @transform_14(%arg0: i32) -> (i32, i32) {
    %c0_i32 = arith.constant 0 : i32
    %c0_i32_0 = arith.constant 0 : i32
    %c0_i32_1 = arith.constant 0 : i32
    return %c0_i32, %c0_i32_0 : i32, i32
  }
  func.func @transform_15(%arg0: i32) -> (i32, i32) {
    %c0_i32 = arith.constant 0 : i32
    %c0_i32_0 = arith.constant 0 : i32
    %c0_i32_1 = arith.constant 0 : i32
    return %c0_i32, %c0_i32_0 : i32, i32
  }
  func.func @transform_16(%arg0: i32) -> (i32, i32) {
    %c0_i32 = arith.constant 0 : i32
    %c0_i32_0 = arith.constant 0 : i32
    %c0_i32_1 = arith.constant 0 : i32
    return %c0_i32, %c0_i32_0 : i32, i32
  }
  func.func @transform_17(%arg0: i32) -> (i32, i32) {
    %c0_i32 = arith.constant 0 : i32
    %c0_i32_0 = arith.constant 0 : i32
    return %arg0, %c0_i32 : i32, i32
  }
  func.func @transform_18(%arg0: i32) -> (i32, i32) {
    %c0_i32 = arith.constant 0 : i32
    %c0_i32_0 = arith.constant 0 : i32
    %c0_i32_1 = arith.constant 0 : i32
    return %c0_i32, %c0_i32_0 : i32, i32
  }
}

module attributes {stable_mosaic.version = 14 : i64} {
  func.func @body(%arg0: i32, %arg1: memref<256x64xf32, #tpu.memory_space<vmem>>, %arg2: memref<256x4xf32, #tpu.memory_space<vmem>>, %arg3: memref<256x16x32xf32, #tpu.memory_space<vmem>>, %arg4: memref<8x16xf32, #tpu.memory_space<vmem>>, %arg5: memref<8x32xf32, #tpu.memory_space<vmem>>, %arg6: memref<4x64xf32, #tpu.memory_space<vmem>>, %arg7: memref<64x16xf32, #tpu.memory_space<vmem>>, %arg8: memref<10x160xf32, #tpu.memory_space<vmem>>, %arg9: memref<64x160xf32, #tpu.memory_space<vmem>>, %arg10: memref<16x160xf32, #tpu.memory_space<vmem>>, %arg11: memref<4x160xf32, #tpu.memory_space<vmem>>, %arg12: memref<1x32xf32, #tpu.memory_space<vmem>>, %arg13: memref<1x32xf32, #tpu.memory_space<vmem>>, %arg14: memref<42x42xf32, #tpu.memory_space<vmem>>, %arg15: memref<32x42xf32, #tpu.memory_space<vmem>>, %arg16: memref<256x32xf32, #tpu.memory_space<vmem>>, %arg17: memref<8x32xf32, #tpu.memory_space<vmem>>, %arg18: memref<8x32xf32, #tpu.memory_space<vmem>>) attributes {dimension_semantics = [#tpu.dimension_semantics<arbitrary>], iteration_bounds = array<i64: 64>, scalar_prefetch = 0 : i64, scratch_operands = 1 : i64, tpu.core_type = #tpu.core_type<tc>, window_params = [{transform_indices = @transform_0, window_bounds = array<i64: 256, 64>}, {transform_indices = @transform_1, window_bounds = array<i64: 256, 4>}, {transform_indices = @transform_2, window_bounds = array<i64: 256, 16, 32>}, {pipeline_mode = #tpu.pipeline_mode<synchronous>, transform_indices = @transform_3, window_bounds = array<i64: 8, 16>}, {pipeline_mode = #tpu.pipeline_mode<synchronous>, transform_indices = @transform_4, window_bounds = array<i64: 8, 32>}, {pipeline_mode = #tpu.pipeline_mode<synchronous>, transform_indices = @transform_5, window_bounds = array<i64: 4, 64>}, {pipeline_mode = #tpu.pipeline_mode<synchronous>, transform_indices = @transform_6, window_bounds = array<i64: 64, 16>}, {pipeline_mode = #tpu.pipeline_mode<synchronous>, transform_indices = @transform_7, window_bounds = array<i64: 10, 160>}, {pipeline_mode = #tpu.pipeline_mode<synchronous>, transform_indices = @transform_8, window_bounds = array<i64: 64, 160>}, {pipeline_mode = #tpu.pipeline_mode<synchronous>, transform_indices = @transform_9, window_bounds = array<i64: 16, 160>}, {pipeline_mode = #tpu.pipeline_mode<synchronous>, transform_indices = @transform_10, window_bounds = array<i64: 4, 160>}, {pipeline_mode = #tpu.pipeline_mode<synchronous>, transform_indices = @transform_11, window_bounds = array<i64: 1, 32>}, {pipeline_mode = #tpu.pipeline_mode<synchronous>, transform_indices = @transform_12, window_bounds = array<i64: 1, 32>}, {pipeline_mode = #tpu.pipeline_mode<synchronous>, transform_indices = @transform_13, window_bounds = array<i64: 42, 42>}, {pipeline_mode = #tpu.pipeline_mode<synchronous>, transform_indices = @transform_14, window_bounds = array<i64: 32, 42>}, {transform_indices = @transform_15, window_bounds = array<i64: 256, 32>}, {pipeline_mode = #tpu.pipeline_mode<synchronous>, transform_indices = @transform_16, window_bounds = array<i64: 8, 32>}]} {
    %eq3A = arith.constant 0 : i32
    %eq3A_0 = arith.cmpi eq, %arg0, %eq3A : i32
    %convert_element_type3A = arith.extui %eq3A_0 : i1 to i32
    %cond3A = arith.constant 0 : i32
    %cond3A_1 = arith.cmpi ne, %convert_element_type3A, %cond3A : i32
    scf.if %cond3A_1 {
      %broadcast_in_dim3A_137 = arith.constant 0.000000e+00 : f32
      %broadcast_in_dim3A_138 = vector.broadcast %broadcast_in_dim3A_137 : f32 to vector<8x32xf32>
      %swap3A_139 = arith.constant 0 : index
      %swap3A_140 = arith.constant 0 : index
      %swap3A_141 = vector.load %arg18[%swap3A_139, %swap3A_140] : memref<8x32xf32, #tpu.memory_space<vmem>>, vector<8x32xf32>
      tpu.vector_store %arg18[%swap3A_139, %swap3A_140], %broadcast_in_dim3A_138 {strides = array<i32>} : memref<8x32xf32, #tpu.memory_space<vmem>>, vector<8x32xf32>,
    } else {
    }
    %get3A = arith.constant 0 : index
    %get3A_2 = arith.constant 0 : index
    %get3A_3 = vector.load %arg6[%get3A, %get3A_2] : memref<4x64xf32, #tpu.memory_space<vmem>>, vector<4x64xf32>
    %get3A_4 = arith.constant 0 : index
    %get3A_5 = arith.constant 0 : index
    %get3A_6 = vector.load %arg7[%get3A_4, %get3A_5] : memref<64x16xf32, #tpu.memory_space<vmem>>, vector<64x16xf32>
    %get3A_7 = arith.constant 0 : index
    %get3A_8 = arith.constant 0 : index
    %get3A_9 = vector.load %arg9[%get3A_7, %get3A_8] : memref<64x160xf32, #tpu.memory_space<vmem>>, vector<64x160xf32>
    %get3A_10 = arith.constant 0 : index
    %get3A_11 = arith.constant 0 : index
    %get3A_12 = vector.load %arg10[%get3A_10, %get3A_11] : memref<16x160xf32, #tpu.memory_space<vmem>>, vector<16x160xf32>
    %get3A_13 = arith.constant 0 : index
    %get3A_14 = arith.constant 0 : index
    %get3A_15 = vector.load %arg11[%get3A_13, %get3A_14] : memref<4x160xf32, #tpu.memory_space<vmem>>, vector<4x160xf32>
    %get3A_16 = arith.constant 0 : index
    %get3A_17 = arith.constant 0 : index
    %get3A_18 = vector.load %arg1[%get3A_16, %get3A_17] : memref<256x64xf32, #tpu.memory_space<vmem>>, vector<256x64xf32>
    %get3A_19 = arith.constant 0 : index
    %get3A_20 = arith.constant 0 : index
    %get3A_21 = vector.load %arg2[%get3A_19, %get3A_20] : memref<256x4xf32, #tpu.memory_space<vmem>>, vector<256x4xf32>
    %dot_general3A = arith.constant dense<0.000000e+00> : vector<256x64xf32>
    %dot_general3A_22 = tpu.matmul %get3A_21, %get3A_3, %dot_general3A {dimension_numbers = #tpu.dot_dimension_numbers<[1], [0], [0], [1], [0, 0, 1, 1], [], []>, transpose_lhs_hint = false} : vector<256x4xf32>, vector<4x64xf32>, vector<256x64xf32> -> vector<256x64xf32>
    %sub3A = arith.subf %dot_general3A_22, %get3A_18 : vector<256x64xf32>
    %mul3A = arith.mulf %sub3A, %sub3A : vector<256x64xf32>
    %dot_general3A_23 = arith.constant dense<0.000000e+00> : vector<256x16xf32>
    %dot_general3A_24 = tpu.matmul %mul3A, %get3A_6, %dot_general3A_23 {dimension_numbers = #tpu.dot_dimension_numbers<[1], [0], [0], [1], [0, 0, 1, 1], [], []>, transpose_lhs_hint = false} : vector<256x64xf32>, vector<64x16xf32>, vector<256x16xf32> -> vector<256x16xf32>
    %sqrt3A = math.sqrt %dot_general3A_24 : vector<256x16xf32>
    %dot_general3A_25 = arith.constant dense<0.000000e+00> : vector<256x160xf32>
    %dot_general3A_26 = tpu.matmul %get3A_18, %get3A_9, %dot_general3A_25 {dimension_numbers = #tpu.dot_dimension_numbers<[1], [0], [0], [1], [0, 0, 1, 1], [], []>, transpose_lhs_hint = false} : vector<256x64xf32>, vector<64x160xf32>, vector<256x160xf32> -> vector<256x160xf32>
    %dot_general3A_27 = arith.constant dense<0.000000e+00> : vector<256x160xf32>
    %dot_general3A_28 = tpu.matmul %sqrt3A, %get3A_12, %dot_general3A_27 {dimension_numbers = #tpu.dot_dimension_numbers<[1], [0], [0], [1], [0, 0, 1, 1], [], []>, transpose_lhs_hint = false} : vector<256x16xf32>, vector<16x160xf32>, vector<256x160xf32> -> vector<256x160xf32>
    %add3A = arith.addf %dot_general3A_26, %dot_general3A_28 : vector<256x160xf32>
    %dot_general3A_29 = arith.constant dense<0.000000e+00> : vector<256x160xf32>
    %dot_general3A_30 = tpu.matmul %get3A_21, %get3A_15, %dot_general3A_29 {dimension_numbers = #tpu.dot_dimension_numbers<[1], [0], [0], [1], [0, 0, 1, 1], [], []>, transpose_lhs_hint = false} : vector<256x4xf32>, vector<4x160xf32>, vector<256x160xf32> -> vector<256x160xf32>
    %add3A_31 = arith.addf %add3A, %dot_general3A_30 : vector<256x160xf32>
    %get3A_32 = arith.constant 4 : index
    %get3A_33 = arith.constant 0 : index
    %get3A_34 = vector.load %arg4[%get3A_32, %get3A_33] : memref<8x16xf32, #tpu.memory_space<vmem>>, vector<1x10xf32>
    %get3A_35 = arith.constant 0 : index
    %get3A_36 = arith.constant 0 : index
    %get3A_37 = vector.load %arg8[%get3A_35, %get3A_36] : memref<10x160xf32, #tpu.memory_space<vmem>>, vector<10x160xf32>
    %dot_general3A_38 = arith.constant dense<0.000000e+00> : vector<1x160xf32>
    %dot_general3A_39 = tpu.matmul %get3A_34, %get3A_37, %dot_general3A_38 {dimension_numbers = #tpu.dot_dimension_numbers<[1], [0], [0], [1], [0, 0, 1, 1], [], []>, transpose_lhs_hint = false} : vector<1x10xf32>, vector<10x160xf32>, vector<1x160xf32> -> vector<1x160xf32>
    %get3A_40 = arith.constant 5 : index
    %get3A_41 = arith.constant 0 : index
    %get3A_42 = vector.load %arg4[%get3A_40, %get3A_41] : memref<8x16xf32, #tpu.memory_space<vmem>>, vector<1x10xf32>
    %get3A_43 = arith.constant 0 : index
    %get3A_44 = arith.constant 0 : index
    %get3A_45 = vector.load %arg8[%get3A_43, %get3A_44] : memref<10x160xf32, #tpu.memory_space<vmem>>, vector<10x160xf32>
    %dot_general3A_46 = arith.constant dense<0.000000e+00> : vector<1x160xf32>
    %dot_general3A_47 = tpu.matmul %get3A_42, %get3A_45, %dot_general3A_46 {dimension_numbers = #tpu.dot_dimension_numbers<[1], [0], [0], [1], [0, 0, 1, 1], [], []>, transpose_lhs_hint = false} : vector<1x10xf32>, vector<10x160xf32>, vector<1x160xf32> -> vector<1x160xf32>
    %mul3A_48 = vector.broadcast %dot_general3A_39 : vector<1x160xf32> to vector<256x160xf32>
    %mul3A_49 = arith.mulf %add3A_31, %mul3A_48 : vector<256x160xf32>
    %add3A_50 = vector.broadcast %dot_general3A_47 : vector<1x160xf32> to vector<256x160xf32>
    %add3A_51 = arith.addf %mul3A_49, %add3A_50 : vector<256x160xf32>
    %max3A = arith.constant 0.000000e+00 : f32
    %max3A_52 = vector.broadcast %max3A : f32 to vector<256x160xf32>
    %max3A_53 = arith.maximumf %add3A_51, %max3A_52 : vector<256x160xf32>
    %reshape3A = vector.shape_cast %max3A_53 : vector<256x160xf32> to vector<256x16x10xf32>
    %get3A_54 = arith.constant 0 : index
    %get3A_55 = arith.constant 0 : index
    %get3A_56 = vector.load %arg5[%get3A_54, %get3A_55] : memref<8x32xf32, #tpu.memory_space<vmem>>, vector<1x32xf32>
    %get3A_57 = arith.constant 1 : index
    %get3A_58 = arith.constant 0 : index
    %get3A_59 = vector.load %arg5[%get3A_57, %get3A_58] : memref<8x32xf32, #tpu.memory_space<vmem>>, vector<1x32xf32>
    %get3A_60 = arith.constant 0 : index
    %get3A_61 = arith.constant 0 : index
    %get3A_62 = vector.load %arg12[%get3A_60, %get3A_61] : memref<1x32xf32, #tpu.memory_space<vmem>>, vector<1x32xf32>
    %get3A_63 = arith.constant 0 : index
    %get3A_64 = arith.constant 0 : index
    %get3A_65 = vector.load %arg13[%get3A_63, %get3A_64] : memref<1x32xf32, #tpu.memory_space<vmem>>, vector<1x32xf32>
    %div3A = arith.constant 1.638400e+04 : f32
    %div3A_66 = vector.broadcast %div3A : f32 to vector<1x32xf32>
    %div3A_67 = arith.divf %get3A_56, %div3A_66 : vector<1x32xf32>
    %div3A_68 = arith.constant 1.638400e+04 : f32
    %div3A_69 = vector.broadcast %div3A_68 : f32 to vector<1x32xf32>
    %div3A_70 = arith.divf %get3A_59, %div3A_69 : vector<1x32xf32>
    %mul3A_71 = arith.mulf %div3A_67, %div3A_67 : vector<1x32xf32>
    %sub3A_72 = arith.subf %div3A_70, %mul3A_71 : vector<1x32xf32>
    %add3A_73 = arith.constant 9.99999974E-6 : f32
    %add3A_74 = vector.broadcast %add3A_73 : f32 to vector<1x32xf32>
    %add3A_75 = arith.addf %sub3A_72, %add3A_74 : vector<1x32xf32>
    %sqrt3A_76 = math.sqrt %add3A_75 : vector<1x32xf32>
    %div3A_77 = arith.divf %get3A_62, %sqrt3A_76 : vector<1x32xf32>
    %mul3A_78 = arith.mulf %div3A_77, %div3A_67 : vector<1x32xf32>
    %sub3A_79 = arith.subf %get3A_65, %mul3A_78 : vector<1x32xf32>
    %get3A_80 = arith.constant 0 : index
    %get3A_81 = arith.constant 0 : index
    %get3A_82 = arith.constant 0 : index
    %get3A_83 = vector.load %arg3[%get3A_80, %get3A_81, %get3A_82] : memref<256x16x32xf32, #tpu.memory_space<vmem>>, vector<256x16x32xf32>
    %broadcast_in_dim3A = vector.shape_cast %div3A_77 : vector<1x32xf32> to vector<1x1x32xf32>
    %mul3A_84 = vector.broadcast %broadcast_in_dim3A : vector<1x1x32xf32> to vector<256x16x32xf32>
    %mul3A_85 = arith.mulf %get3A_83, %mul3A_84 : vector<256x16x32xf32>
    %broadcast_in_dim3A_86 = vector.shape_cast %sub3A_79 : vector<1x32xf32> to vector<1x1x32xf32>
    %add3A_87 = vector.broadcast %broadcast_in_dim3A_86 : vector<1x1x32xf32> to vector<256x16x32xf32>
    %add3A_88 = arith.addf %mul3A_85, %add3A_87 : vector<256x16x32xf32>
    %max3A_89 = arith.constant 0.000000e+00 : f32
    %max3A_90 = vector.broadcast %max3A_89 : f32 to vector<256x16x32xf32>
    %max3A_91 = arith.maximumf %add3A_88, %max3A_90 : vector<256x16x32xf32>
    %concatenate3A = tpu.concatenate %max3A_91, %reshape3A in 2 : vector<256x16x32xf32>, vector<256x16x10xf32> -> vector<256x16x42xf32>
    %reshape3A_92 = vector.shape_cast %concatenate3A : vector<256x16x42xf32> to vector<4096x42xf32>
    %get3A_93 = arith.constant 0 : index
    %get3A_94 = arith.constant 0 : index
    %get3A_95 = vector.load %arg14[%get3A_93, %get3A_94] : memref<42x42xf32, #tpu.memory_space<vmem>>, vector<42x42xf32>
    %dot_general3A_96 = arith.constant dense<0.000000e+00> : vector<4096x42xf32>
    %dot_general3A_97 = tpu.matmul %reshape3A_92, %get3A_95, %dot_general3A_96 {dimension_numbers = #tpu.dot_dimension_numbers<[1], [1], [0], [0], [0, 0, 1, 0], [], []>, transpose_lhs_hint = false} : vector<4096x42xf32>, vector<42x42xf32>, vector<4096x42xf32> -> vector<4096x42xf32>
    %reshape3A_98 = vector.shape_cast %dot_general3A_97 : vector<4096x42xf32> to vector<256x16x42xf32>
    %exp3A = math.exp %reshape3A_98 : vector<256x16x42xf32>
    %reduce_sum3A = arith.constant dense<0.000000e+00> : vector<256x42xf32>
    %reduce_sum3A_99 = vector.multi_reduction <add>, %exp3A, %reduce_sum3A [1] : vector<256x16x42xf32> to vector<256x42xf32>
    %mul3A_100 = arith.mulf %concatenate3A, %exp3A : vector<256x16x42xf32>
    %reduce_sum3A_101 = arith.constant dense<0.000000e+00> : vector<256x42xf32>
    %reduce_sum3A_102 = vector.multi_reduction <add>, %mul3A_100, %reduce_sum3A_101 [1] : vector<256x16x42xf32> to vector<256x42xf32>
    %div3A_103 = arith.divf %reduce_sum3A_102, %reduce_sum3A_99 : vector<256x42xf32>
    %get3A_104 = arith.constant 0 : index
    %get3A_105 = arith.constant 0 : index
    %get3A_106 = vector.load %arg15[%get3A_104, %get3A_105] : memref<32x42xf32, #tpu.memory_space<vmem>>, vector<32x42xf32>
    %dot_general3A_107 = arith.constant dense<0.000000e+00> : vector<256x32xf32>
    %dot_general3A_108 = tpu.matmul %div3A_103, %get3A_106, %dot_general3A_107 {dimension_numbers = #tpu.dot_dimension_numbers<[1], [1], [0], [0], [0, 0, 1, 0], [], []>, transpose_lhs_hint = false} : vector<256x42xf32>, vector<32x42xf32>, vector<256x32xf32> -> vector<256x32xf32>
    %swap3A = arith.constant 0 : index
    %swap3A_109 = arith.constant 0 : index
    %swap3A_110 = vector.load %arg16[%swap3A, %swap3A_109] : memref<256x32xf32, #tpu.memory_space<vmem>>, vector<256x32xf32>
    tpu.vector_store %arg16[%swap3A, %swap3A_109], %dot_general3A_108 {strides = array<i32>} : memref<256x32xf32, #tpu.memory_space<vmem>>, vector<256x32xf32>,
    %get3A_111 = arith.constant 0 : index
    %get3A_112 = arith.constant 0 : index
    %get3A_113 = vector.load %arg18[%get3A_111, %get3A_112] : memref<8x32xf32, #tpu.memory_space<vmem>>, vector<1x32xf32>
    %reduce_sum3A_114 = arith.constant dense<0.000000e+00> : vector<32xf32>
    %reduce_sum3A_115 = vector.multi_reduction <add>, %dot_general3A_108, %reduce_sum3A_114 [0] : vector<256x32xf32> to vector<32xf32>
    %broadcast_in_dim3A_116 = vector.shape_cast %reduce_sum3A_115 : vector<32xf32> to vector<1x32xf32>
    %add3A_117 = arith.addf %get3A_113, %broadcast_in_dim3A_116 : vector<1x32xf32>
    %swap3A_118 = arith.constant 0 : index
    %swap3A_119 = arith.constant 0 : index
    %swap3A_120 = vector.load %arg18[%swap3A_118, %swap3A_119] : memref<8x32xf32, #tpu.memory_space<vmem>>, vector<1x32xf32>
    tpu.vector_store %arg18[%swap3A_118, %swap3A_119], %add3A_117 {strides = array<i32>} : memref<8x32xf32, #tpu.memory_space<vmem>>, vector<1x32xf32>,
    %get3A_121 = arith.constant 1 : index
    %get3A_122 = arith.constant 0 : index
    %get3A_123 = vector.load %arg18[%get3A_121, %get3A_122] : memref<8x32xf32, #tpu.memory_space<vmem>>, vector<1x32xf32>
    %mul3A_124 = arith.mulf %dot_general3A_108, %dot_general3A_108 : vector<256x32xf32>
    %reduce_sum3A_125 = arith.constant dense<0.000000e+00> : vector<32xf32>
    %reduce_sum3A_126 = vector.multi_reduction <add>, %mul3A_124, %reduce_sum3A_125 [0] : vector<256x32xf32> to vector<32xf32>
    %broadcast_in_dim3A_127 = vector.shape_cast %reduce_sum3A_126 : vector<32xf32> to vector<1x32xf32>
    %add3A_128 = arith.addf %get3A_123, %broadcast_in_dim3A_127 : vector<1x32xf32>
    %swap3A_129 = arith.constant 1 : index
    %swap3A_130 = arith.constant 0 : index
    %swap3A_131 = vector.load %arg18[%swap3A_129, %swap3A_130] : memref<8x32xf32, #tpu.memory_space<vmem>>, vector<1x32xf32>
    tpu.vector_store %arg18[%swap3A_129, %swap3A_130], %add3A_128 {strides = array<i32>} : memref<8x32xf32, #tpu.memory_space<vmem>>, vector<1x32xf32>,
    %eq3A_132 = arith.constant 63 : i32
    %eq3A_133 = arith.cmpi eq, %arg0, %eq3A_132 : i32
    %convert_element_type3A_134 = arith.extui %eq3A_133 : i1 to i32
    %cond3A_135 = arith.constant 0 : i32
    %cond3A_136 = arith.cmpi ne, %convert_element_type3A_134, %cond3A_135 : i32
    scf.if %cond3A_136 {
      %get3A_137 = arith.constant 0 : index
      %get3A_138 = arith.constant 0 : index
      %get3A_139 = vector.load %arg18[%get3A_137, %get3A_138] : memref<8x32xf32, #tpu.memory_space<vmem>>, vector<8x32xf32>
      %swap3A_140 = arith.constant 0 : index
      %swap3A_141 = arith.constant 0 : index
      %swap3A_142 = vector.load %arg17[%swap3A_140, %swap3A_141] : memref<8x32xf32, #tpu.memory_space<vmem>>, vector<8x32xf32>
      tpu.vector_store %arg17[%swap3A_140, %swap3A_141], %get3A_139 {strides = array<i32>} : memref<8x32xf32, #tpu.memory_space<vmem>>, vector<8x32xf32>,
    } else {
    }
    return
  }
  func.func @transform_0(%arg0: i32) -> (i32, i32) {
    %c0_i32 = arith.constant 0 : i32
    %c0_i32_0 = arith.constant 0 : i32
    return %arg0, %c0_i32 : i32, i32
  }
  func.func @transform_1(%arg0: i32) -> (i32, i32) {
    %c0_i32 = arith.constant 0 : i32
    %c0_i32_0 = arith.constant 0 : i32
    return %arg0, %c0_i32 : i32, i32
  }
  func.func @transform_2(%arg0: i32) -> (i32, i32, i32) {
    %c0_i32 = arith.constant 0 : i32
    %c0_i32_0 = arith.constant 0 : i32
    %c0_i32_1 = arith.constant 0 : i32
    return %arg0, %c0_i32, %c0_i32_0 : i32, i32, i32
  }
  func.func @transform_3(%arg0: i32) -> (i32, i32) {
    %c0_i32 = arith.constant 0 : i32
    %c0_i32_0 = arith.constant 0 : i32
    %c0_i32_1 = arith.constant 0 : i32
    return %c0_i32, %c0_i32_0 : i32, i32
  }
  func.func @transform_4(%arg0: i32) -> (i32, i32) {
    %c0_i32 = arith.constant 0 : i32
    %c0_i32_0 = arith.constant 0 : i32
    %c0_i32_1 = arith.constant 0 : i32
    return %c0_i32, %c0_i32_0 : i32, i32
  }
  func.func @transform_5(%arg0: i32) -> (i32, i32) {
    %c0_i32 = arith.constant 0 : i32
    %c0_i32_0 = arith.constant 0 : i32
    %c0_i32_1 = arith.constant 0 : i32
    return %c0_i32, %c0_i32_0 : i32, i32
  }
  func.func @transform_6(%arg0: i32) -> (i32, i32) {
    %c0_i32 = arith.constant 0 : i32
    %c0_i32_0 = arith.constant 0 : i32
    %c0_i32_1 = arith.constant 0 : i32
    return %c0_i32, %c0_i32_0 : i32, i32
  }
  func.func @transform_7(%arg0: i32) -> (i32, i32) {
    %c0_i32 = arith.constant 0 : i32
    %c0_i32_0 = arith.constant 0 : i32
    %c0_i32_1 = arith.constant 0 : i32
    return %c0_i32, %c0_i32_0 : i32, i32
  }
  func.func @transform_8(%arg0: i32) -> (i32, i32) {
    %c0_i32 = arith.constant 0 : i32
    %c0_i32_0 = arith.constant 0 : i32
    %c0_i32_1 = arith.constant 0 : i32
    return %c0_i32, %c0_i32_0 : i32, i32
  }
  func.func @transform_9(%arg0: i32) -> (i32, i32) {
    %c0_i32 = arith.constant 0 : i32
    %c0_i32_0 = arith.constant 0 : i32
    %c0_i32_1 = arith.constant 0 : i32
    return %c0_i32, %c0_i32_0 : i32, i32
  }
  func.func @transform_10(%arg0: i32) -> (i32, i32) {
    %c0_i32 = arith.constant 0 : i32
    %c0_i32_0 = arith.constant 0 : i32
    %c0_i32_1 = arith.constant 0 : i32
    return %c0_i32, %c0_i32_0 : i32, i32
  }
  func.func @transform_11(%arg0: i32) -> (i32, i32) {
    %c0_i32 = arith.constant 0 : i32
    %c0_i32_0 = arith.constant 0 : i32
    %c0_i32_1 = arith.constant 0 : i32
    return %c0_i32, %c0_i32_0 : i32, i32
  }
  func.func @transform_12(%arg0: i32) -> (i32, i32) {
    %c0_i32 = arith.constant 0 : i32
    %c0_i32_0 = arith.constant 0 : i32
    %c0_i32_1 = arith.constant 0 : i32
    return %c0_i32, %c0_i32_0 : i32, i32
  }
  func.func @transform_13(%arg0: i32) -> (i32, i32) {
    %c0_i32 = arith.constant 0 : i32
    %c0_i32_0 = arith.constant 0 : i32
    %c0_i32_1 = arith.constant 0 : i32
    return %c0_i32, %c0_i32_0 : i32, i32
  }
  func.func @transform_14(%arg0: i32) -> (i32, i32) {
    %c0_i32 = arith.constant 0 : i32
    %c0_i32_0 = arith.constant 0 : i32
    %c0_i32_1 = arith.constant 0 : i32
    return %c0_i32, %c0_i32_0 : i32, i32
  }
  func.func @transform_15(%arg0: i32) -> (i32, i32) {
    %c0_i32 = arith.constant 0 : i32
    %c0_i32_0 = arith.constant 0 : i32
    return %arg0, %c0_i32 : i32, i32
  }
  func.func @transform_16(%arg0: i32) -> (i32, i32) {
    %c0_i32 = arith.constant 0 : i32
    %c0_i32_0 = arith.constant 0 : i32
    %c0_i32_1 = arith.constant 0 : i32
    return %c0_i32, %c0_i32_0 : i32, i32
  }
}

module attributes {stable_mosaic.version = 14 : i64} {
  func.func @body(%arg0: i32, %arg1: memref<1024x32xf32, #tpu.memory_space<vmem>>, %arg2: memref<8x32xf32, #tpu.memory_space<vmem>>, %arg3: memref<1x32xf32, #tpu.memory_space<vmem>>, %arg4: memref<1x32xf32, #tpu.memory_space<vmem>>, %arg5: memref<1024x32xf32, #tpu.memory_space<vmem>>) attributes {dimension_semantics = [#tpu.dimension_semantics<arbitrary>], iteration_bounds = array<i64: 16>, scalar_prefetch = 0 : i64, scratch_operands = 0 : i64, tpu.core_type = #tpu.core_type<tc>, window_params = [{transform_indices = @transform_0, window_bounds = array<i64: 1024, 32>}, {pipeline_mode = #tpu.pipeline_mode<synchronous>, transform_indices = @transform_1, window_bounds = array<i64: 8, 32>}, {pipeline_mode = #tpu.pipeline_mode<synchronous>, transform_indices = @transform_2, window_bounds = array<i64: 1, 32>}, {pipeline_mode = #tpu.pipeline_mode<synchronous>, transform_indices = @transform_3, window_bounds = array<i64: 1, 32>}, {transform_indices = @transform_4, window_bounds = array<i64: 1024, 32>}]} {
    %get3A = arith.constant 0 : index
    %get3A_0 = arith.constant 0 : index
    %get3A_1 = vector.load %arg2[%get3A, %get3A_0] : memref<8x32xf32, #tpu.memory_space<vmem>>, vector<1x32xf32>
    %get3A_2 = arith.constant 1 : index
    %get3A_3 = arith.constant 0 : index
    %get3A_4 = vector.load %arg2[%get3A_2, %get3A_3] : memref<8x32xf32, #tpu.memory_space<vmem>>, vector<1x32xf32>
    %get3A_5 = arith.constant 0 : index
    %get3A_6 = arith.constant 0 : index
    %get3A_7 = vector.load %arg3[%get3A_5, %get3A_6] : memref<1x32xf32, #tpu.memory_space<vmem>>, vector<1x32xf32>
    %get3A_8 = arith.constant 0 : index
    %get3A_9 = arith.constant 0 : index
    %get3A_10 = vector.load %arg4[%get3A_8, %get3A_9] : memref<1x32xf32, #tpu.memory_space<vmem>>, vector<1x32xf32>
    %div3A = arith.constant 1.638400e+04 : f32
    %div3A_11 = vector.broadcast %div3A : f32 to vector<1x32xf32>
    %div3A_12 = arith.divf %get3A_1, %div3A_11 : vector<1x32xf32>
    %div3A_13 = arith.constant 1.638400e+04 : f32
    %div3A_14 = vector.broadcast %div3A_13 : f32 to vector<1x32xf32>
    %div3A_15 = arith.divf %get3A_4, %div3A_14 : vector<1x32xf32>
    %mul3A = arith.mulf %div3A_12, %div3A_12 : vector<1x32xf32>
    %sub3A = arith.subf %div3A_15, %mul3A : vector<1x32xf32>
    %add3A = arith.constant 9.99999974E-6 : f32
    %add3A_16 = vector.broadcast %add3A : f32 to vector<1x32xf32>
    %add3A_17 = arith.addf %sub3A, %add3A_16 : vector<1x32xf32>
    %sqrt3A = math.sqrt %add3A_17 : vector<1x32xf32>
    %div3A_18 = arith.divf %get3A_7, %sqrt3A : vector<1x32xf32>
    %mul3A_19 = arith.mulf %div3A_18, %div3A_12 : vector<1x32xf32>
    %sub3A_20 = arith.subf %get3A_10, %mul3A_19 : vector<1x32xf32>
    %get3A_21 = arith.constant 0 : index
    %get3A_22 = arith.constant 0 : index
    %get3A_23 = vector.load %arg1[%get3A_21, %get3A_22] : memref<1024x32xf32, #tpu.memory_space<vmem>>, vector<1024x32xf32>
    %mul3A_24 = vector.broadcast %div3A_18 : vector<1x32xf32> to vector<1024x32xf32>
    %mul3A_25 = arith.mulf %get3A_23, %mul3A_24 : vector<1024x32xf32>
    %add3A_26 = vector.broadcast %sub3A_20 : vector<1x32xf32> to vector<1024x32xf32>
    %add3A_27 = arith.addf %mul3A_25, %add3A_26 : vector<1024x32xf32>
    %max3A = arith.constant 0.000000e+00 : f32
    %max3A_28 = vector.broadcast %max3A : f32 to vector<1024x32xf32>
    %max3A_29 = arith.maximumf %add3A_27, %max3A_28 : vector<1024x32xf32>
    %swap3A = arith.constant 0 : index
    %swap3A_30 = arith.constant 0 : index
    %swap3A_31 = vector.load %arg5[%swap3A, %swap3A_30] : memref<1024x32xf32, #tpu.memory_space<vmem>>, vector<1024x32xf32>
    tpu.vector_store %arg5[%swap3A, %swap3A_30], %max3A_29 {strides = array<i32>} : memref<1024x32xf32, #tpu.memory_space<vmem>>, vector<1024x32xf32>,
    return
  }
  func.func @transform_0(%arg0: i32) -> (i32, i32) {
    %c0_i32 = arith.constant 0 : i32
    %c0_i32_0 = arith.constant 0 : i32
    return %arg0, %c0_i32 : i32, i32
  }
  func.func @transform_1(%arg0: i32) -> (i32, i32) {
    %c0_i32 = arith.constant 0 : i32
    %c0_i32_0 = arith.constant 0 : i32
    %c0_i32_1 = arith.constant 0 : i32
    return %c0_i32, %c0_i32_0 : i32, i32
  }
  func.func @transform_2(%arg0: i32) -> (i32, i32) {
    %c0_i32 = arith.constant 0 : i32
    %c0_i32_0 = arith.constant 0 : i32
    %c0_i32_1 = arith.constant 0 : i32
    return %c0_i32, %c0_i32_0 : i32, i32
  }
  func.func @transform_3(%arg0: i32) -> (i32, i32) {
    %c0_i32 = arith.constant 0 : i32
    %c0_i32_0 = arith.constant 0 : i32
    %c0_i32_1 = arith.constant 0 : i32
    return %c0_i32, %c0_i32_0 : i32, i32
  }
  func.func @transform_4(%arg0: i32) -> (i32, i32) {
    %c0_i32 = arith.constant 0 : i32
    %c0_i32_0 = arith.constant 0 : i32
    return %arg0, %c0_i32 : i32, i32
  }
}

</mosaic_0001>

<sc_bundles>
// kernel: kernel.12.cloned.1.call-start
scs
__scs_entry_jumppad:
0x0: {  	(pc) =	sbr.rel $0x88, $3  }
0x1: {  	(tag) =	ssettag $0x0;
	lr =	simm.s32 $0x1  }
0x2: {  	[smem:$0x3F88] =	sst lr;
	_ =	strace $0xD0000000  }
0x3: {  	_ = 	snop  }
0x4: {  	_ = 	snop  }
0x5: {  	_ = 	snop  }
0x6: {  	_ = 	snop  }
0x7: {  	_ = 	snop  }
__scs_overlays_trampoline_lowered:
0x8: {  	[smem:$0x3F97] =	sst s0  }
0x9: {  	[smem:$0x3F98] =	sst s1  }
0xa: {  	[smem:$0x3F99] =	sst s2  }
0xb: {  	[smem:$0x3F9A] =	sst s3  }
0xc: {  	[smem:$0x3F9B] =	sst s4  }
0xd: {  	[smem:$0x3F9C] =	sst s5  }
0xe: {  	[smem:$0x3F9D] =	sst s6  }
0xf: {  	[smem:$0x3F9E] =	sst s7  }
0x10: {  	[smem:$0x3F9F] =	sst s8  }
0x11: {  	[smem:$0x3FA0] =	sst s9;
	s0 =	simm.s32 @!p0 $0x0  }
0x12: {  	s1 =	sld [smem:$0x3F86];
	s0 =	simm.s32 @p0 $0x1  }
0x13: {  	[smem:$0x3FA1] =	sst s0;
	s0 =	simm.s32 @!p1 $0x0  }
0x14: {  	s2 =	sld [smem:$0x3F85];
	s0 =	simm.s32 @p1 $0x1  }
0x15: {  	[smem:$0x3FA2] =	sst s0;
	s0 =	simm.s32 @!p2 $0x0  }
0x16: {  	s3 =	sld [smem:$0x3FDB];
	s0 =	simm.s32 @p2 $0x1  }
0x17: {  	s4 =	simm.s32 $0x1BF5;
	[smem:$0x3FA4] =	sst s0  }
0x18: {  	s0 =	sld [smem:$0x3F87];
	_ =	swait.ge [sflag:s4], $0x0  }
0x19: {  	s7 =	sld [smem:$0x3F88]  }
0x1a: {  	s8 =	sadd.s32 $0xFFFFE003, lr  }
0x1b: {  	s9 =	sadd.s32 $0xFFFFFEF7, lr;
	s5 =	simm.s32 $0xFFFFFFFF;
	p2 =	slt.u32 s8, $0xFFFFF086  }
0x1c: {  	p1 =	slt.u32 s9, $0xF7A;
	s5 =	simm.s32 @!p2 $0x0  }
0x1d: {  	s5 =	simm.s32 @p1 $0x1;
	p0 =	seq.s32 s7, s2  }
0x1e: {  	s7 =	smul.u32 @!p0 $0xF7A, s2;
	p2 =	seq.s32 @!p0 s5, $0x0  }
0x1f: {  	s9 =	smul.u32 $0xF7A, s1;
	s8 =	simm.s32 @!p0 $0x1BF5;
	p2 =	por !p2, p0  }
0x20: {  	[sflag:s8] =	ssyncset.s32 @!p0 $0xFFFFF086;
	s6 =	sadd.s32 @!p0 s3, s7;
	s7 =	simm.s32 @!p0 $0x108  }
0x21: {  	s3 =	sadd.s32 s3, s9;
	s6 =	sadd.s32 @!p0 $0x88, s6;
	s7 =	simm.s32 @p2 $0x1082  }
0x22: {  	[simem:s7], [sflag:s8] =	dma.local @!p0 [hbm:s6], $0xF7A  }
0x23: {  	s9 =	sor.u32 $0xD0000000, s2;
	s6 =	simm.s32 $0x108;
	_ =	swait.ge @!p0 [sflag:s8], $0x0  }
0x24: {  	s3 =	sadd.s32 $0x88, s3;
	s6 =	simm.s32 @!p1 $0x1082;
	[sflag:s4] =	ssyncset.s32 $0xFFFFF086  }
0x25: {  	[simem:s6], [sflag:s4] =	dma.local [hbm:s3], $0xF7A  }
0x26: {  	[smem:$0x3F88] =	sst s1;
	(tag) =	ssettag s2;
	_ =	strace s9  }
0x27: {  	s1 =	sld [smem:$0x3F98]  }
0x28: {  	s2 =	sld [smem:$0x3F99]  }
0x29: {  	s4 =	sld [smem:$0x3F9B]  }
0x2a: {  	p0 =	seq.s32 s5, $0x0;
	s5 =	sld [smem:$0x3F9C]  }
0x2b: {  	s6 =	sld [smem:$0x3F9D]  }
0x2c: {  	s7 =	sld [smem:$0x3F9E]  }
0x2d: {  	s3 =	simm.s32 $0x108;
	s8 =	sld [smem:$0x3F9F]  }
0x2e: {  	s3 =	simm.s32 @!p0 $0x1082;
	s9 =	sld [smem:$0x3FA0]  }
0x2f: {  	lr =	sadd.s32 s0, s3;
	s0 =	sld [smem:$0x3F97]  }
0x30: {  	s3 =	sld [smem:$0x3F9A]  }
0x31: {  	[smem:$0x3FA3] =	sst s10  }
0x32: {  	s10 =	sld [smem:$0x3FA1];
	_ =	sdelay $0x3  }
0x33: {  	p0 =	seq.s32 s10, $0x1;
	s10 =	sld [smem:$0x3FA3];
	_ =	sdelay $0x3  }
0x34: {  	[smem:$0x3FA3] =	sst s10  }
0x35: {  	s10 =	sld [smem:$0x3FA2];
	_ =	sdelay $0x3  }
0x36: {  	p1 =	seq.s32 s10, $0x1;
	s10 =	sld [smem:$0x3FA3];
	_ =	sdelay $0x3  }
0x37: {  	[smem:$0x3FA3] =	sst s10  }
0x38: {  	s10 =	sld [smem:$0x3FA4]  }
0x39: {  	_ = 	snop;
	(pc) =	sbr.ind lr, $3  }
0x3a: {  	_ = 	snop  }
0x3b: {  	_ = 	snop  }
0x3c: {  	p2 =	seq.s32 s10, $0x1;
	s10 =	sld [smem:$0x3FA3]  }
0x3d: {  	_ =	shalt  }
0x3e: {  	_ =	shalt  }
0x3f: {  	_ =	shalt  }
0x40: {  	_ =	shalt  }
0x41: {  	_ =	shalt  }
0x42: {  	_ =	shalt  }
0x43: {  	_ =	shalt  }
0x44: {  	_ =	shalt  }
0x45: {  	_ =	shalt  }
0x46: {  	_ =	shalt  }
0x47: {  	_ =	shalt  }
0x48: {  	_ =	shalt  }
0x49: {  	_ =	shalt  }
0x4a: {  	_ =	shalt  }
0x4b: {  	_ =	shalt  }
0x4c: {  	_ =	shalt  }
0x4d: {  	_ =	shalt  }
0x4e: {  	_ =	shalt  }
0x4f: {  	_ =	shalt  }
0x50: {  	_ =	shalt  }
0x51: {  	_ =	shalt  }
0x52: {  	_ =	shalt  }
0x53: {  	_ =	shalt  }
0x54: {  	_ =	shalt  }
0x55: {  	_ =	shalt  }
0x56: {  	_ =	shalt  }
0x57: {  	_ =	shalt  }
0x58: {  	_ =	shalt  }
0x59: {  	_ =	shalt  }
0x5a: {  	_ =	shalt  }
0x5b: {  	_ =	shalt  }
0x5c: {  	_ =	shalt  }
0x5d: {  	_ =	shalt  }
0x5e: {  	_ =	shalt  }
0x5f: {  	_ =	shalt  }
0x60: {  	_ =	shalt  }
0x61: {  	_ =	shalt  }
0x62: {  	_ =	shalt  }
0x63: {  	_ =	shalt  }
0x64: {  	_ =	shalt  }
0x65: {  	_ =	shalt  }
0x66: {  	_ =	shalt  }
0x67: {  	_ =	shalt  }
0x68: {  	_ =	shalt  }
0x69: {  	_ =	shalt  }
0x6a: {  	_ =	shalt  }
0x6b: {  	_ =	shalt  }
0x6c: {  	_ =	shalt  }
0x6d: {  	_ =	shalt  }
0x6e: {  	_ =	shalt  }
0x6f: {  	_ =	shalt  }
0x70: {  	_ =	shalt  }
0x71: {  	_ =	shalt  }
0x72: {  	_ =	shalt  }
0x73: {  	_ =	shalt  }
0x74: {  	_ =	shalt  }
0x75: {  	_ =	shalt  }
0x76: {  	_ =	shalt  }
0x77: {  	_ =	shalt  }
0x78: {  	_ =	shalt  }
0x79: {  	_ =	shalt  }
0x7a: {  	_ =	shalt  }
0x7b: {  	_ =	shalt  }
0x7c: {  	_ =	shalt  }
0x7d: {  	_ =	shalt  }
0x7e: {  	_ =	shalt  }
0x7f: {  	_ =	shalt  }
0x80: {  	_ =	shalt  }
0x81: {  	_ =	shalt  }
0x82: {  	_ =	shalt  }
0x83: {  	_ =	shalt  }
0x84: {  	_ =	shalt  }
0x85: {  	_ =	shalt  }
0x86: {  	_ =	shalt  }
0x87: {  	_ =	shalt  }
.Lfunc_end0:
.L_simem_size_0:
called_computation.1_lowered:
.L_overlay_start_0:
0x88: {  	s2 =	sld [smem:$0x3FD9]  }
0x89: {  	s3 =	sld [smem:$0x3FFE];
	_ =	sdelay $0x1  }
0x8a: {  	s1 =	srdreg.scid  }
0x8b: {  	s0 =	sand.u32 $0x1, s1  }
0x8c: {  	s17 =	sshll.u32 s0, $0xA;
	s2 =	sadd.s32 s3, s2  }
0x8d: {  	s2 =	sadd.s32 s2, s17  }
0x8e: {  	[smem:$0x3FAF] =	sst s2  }
0x8f: {  	_ = 	snop  }
0x90: {  	s2 =	sld [smem:$0x3FD0];
	(tm) =	ssettm $0x1  }
0x91: {  	s18 =	sld [smem:$0x3FFB];
	_ =	sdelay $0x3  }
0x92: {  	_ =	strace s18  }
0x93: {  	s3 =	sld [smem:$0x3FFC];
	_ =	sdelay $0x3  }
0x94: {  	_ =	strace s3  }
0x95: {  	s3 =	sld [smem:$0x3FFD];
	_ =	sdelay $0x3  }
0x96: {  	_ =	strace s3  }
0x97: {  	_ =	strace $0x8FFFFFFF  }
0x98: {  	s19 =	sld [smem:$0x3FDB];
	_ =	sdelay $0x1  }
0x99: {  	s4 =	simm.s32 $_scs_section_size  }
0x9a: {  	s5 =	simm.s32 $_size__tile_overlayer_lowered;
	s6 =	simm.s32 $_tile_overlayer_lowered  }
0x9b: {  	s22 =	simm.s32 $0x1BFF;
	s21 =	sshll.u32 s6, $0x1;
	s3 =	sadd.s32 s4, s19  }
0x9c: {  	s7 =	simm.s32 $0x0;
	s20 =	sshll.u32 s5, $0x1;
	s5 =	sadd.s32 s21, s3  }
0x9d: {  	[timem:s7], [sflag:s22] =	dma.local [hbm:s5], s20  }
0x9e: {  	_ =	swait.ge [sflag:s22], s20  }
0x9f: {  	s4 =	ssub.s32 $0x0, s20;
	[sflag:s22] =	ssyncset.done $0x0  }
0xa0: {  	[sflag:s22] =	ssyncadd.s32 s4;
	_ =	sdelay $0x1  }
0xa1: {  	s23 =	simm.s32 $0x1B8B  }
0xa2: {  	_ =	swait.ge [sflag:s23], $0x1  }
0xa3: {  	[sflag:s23] =	ssyncset.done $0x0  }
0xa4: {  	s25 =	simm.s32 $0x1B8E;
	s24 =	sld [smem:$0x3FFE];
	[sflag:s23] =	ssyncadd.s32 $0xFFFFFFFF  }
0xa5: {  	s26 =	simm.s32 $execute0_lowered;
	[smem:$0x3FD2] =	sst s25  }
0xa6: {  	s5 =	sshll.u32 s26, $0x1;
	_ =	strace $0x80000049;
	[dreg:$0x1] =	wrdreg $0xFFFFFFFF  }
0xa7: {  	s28 =	simm.s32 $_size_execute0_lowered;
	s3 =	sadd.s32 s3, s5;
	[dreg:$0x0] =	wrdreg $0x0  }
0xa8: {  	s5 =	sshll.u32 s28, $0x1;
	[dreg:$0x2] =	wrdreg s3  }
0xa9: {  	[dreg:$0x3] =	wrdreg s5  }
0xaa: {  	[dreg:$0x4] =	wrdreg $0xC0  }
0xab: {  	_ =	task [dreg:s7], $0x5FFFF  }
0xac: {  	[dreg:$0x1] =	wrdreg $0xFFFFFFFF  }
0xad: {  	[dreg:$0x0] =	wrdreg $0x60  }
0xae: {  	[dreg:$0x2] =	wrdreg s2  }
0xaf: {  	[dreg:$0x3] =	wrdreg s24  }
0xb0: {  	[dreg:$0x4] =	wrdreg $0x9  }
0xb1: {  	_ =	task.clear_ibuf [dreg:s7], $0x5FFFF;
	_ =	strace $0x90000049  }
0xb2: {  	s29 =	simm.s32 $0x9;
	_ =	strace $0x8000004B  }
0xb3: {  	_ =	swait.ge [sflag:s29], $0x1  }
0xb4: {  	[sflag:s29] =	ssyncadd.s32 $0xFFFFFFFF  }
0xb5: {  	_ =	strace $0x9000004B  }
0xb6: {  	_ =	sfence  }
0xb7: {  	s30 =	sld [smem:$0x0];
	_ =	sdelay $0x2  }
0xb8: {  	s31 =	sshll.u32 s1, $0xD;
	s1 =	sshrl.u32 s1, $0x2  }
0xb9: {  	s3 =	sand.u32 $0x4000, s31;
	s1 =	sadd.s32 s1, s30  }
0xba: {  	s0 =	sor.u32 s3, s0;
	s1 =	sshll.u32 s1, $0x11  }
0xbb: {  	s0 =	sor.u32 s1, s0  }
0xbc: {  	s0 =	sadd.s32 $0x8F2B, s0  }
0xbd: {  	[sflag:s0] =	ssyncadd.remote.s32 $0x1  }
0xbe: {  	_ =	sfence.sel $0xFFFF  }
0xbf: {  	[dreg:$0x0] =	wrdreg $0xFFFFFFFF;
	(pc) =	sbr.abs _section_cstart, $3  }
0xc0: {  	[dreg:$0x1] =	wrdreg $0xFFFFFFFF  }
0xc1: {  	_ =	task.clear_ibuf [dreg:s7], $0x2FFFF;
	_ =	strace $0x9FFFFFFF  }
0xc2: {  	(tm) =	ssettm $0x7FFFFFFF  }
0xc3: {  	_ =	shalt  }
tec
execute0_lowered:
.L_overlay_start_1:
0x0: {  	(tag) =	ssettag $0x1  }
0x1: {  	s1 =	srdreg.scid  }
0x2: {  	s2 =	rddreg [dreg:$0x0];
	s0 =	stileid.u32;
	s14 =	sand.u32 $0x1, s1  }
0x3: {  	s8 =	rddreg [dreg:$0x1];
	s4 =	sshll.u32 s0, $0xE;
	s5 =	sshll.u32 s14, $0xD  }
0x4: {  	s3 =	simm.s32 $0x0;
	s1 =	rddreg [dreg:$0x2];
	s13 =	sor.u32 s5, s4  }
0x5: {  	[smem:$0x7FF] =	sst s3;
	s15 =	sadd.s32 $0x4CC00, s8;
	s4 =	sshrl.u32 s13, $0x3  }
0x6: {  	_ =	strace $0x8000004A;
	s5 =	sadd.s32 s15, s4;
	s4 =	simm.s32 $0x2  }
0x7: {  	[tilespmem:s3], [sflag:$0x2] =	stream.linear.gather [hbm4b:s5+s3], $0x800, $0x38;
	[tilespmem:$0x10800] =	vst v63  }
0x8: {  	_ =	swait.ge [sflag:s4], $0x800  }
0x9: {  	[sflag:s4] =	ssyncset.done $0x0  }
0xa: {  	s6 =	simm.s32 $0x800;
	s7 =	simm.s32 $0x1;
	[sflag:s4] =	ssyncadd.s32 $0xFFFFF800  }
0xb: {  	[tilespmem:s6], [sflag:$0x1] =	stream.indirect.gather [hbm4b:s2+s6], $0x20, s3, s6, $0xb8;
	[tilespmem:$0x10800] =	vst v63  }
0xc: {  	_ =	swait.ge [sflag:s7], $0x10000  }
0xd: {  	s16 =	sadd.s32 $0x124600, s8;
	s29 =	sshll.u32 s13, $0x2;
	[sflag:s7] =	ssyncset.done $0x0  }
0xe: {  	s8 =	sadd.s32 s16, s29;
	[sflag:s7] =	ssyncadd.s32 $0xFFFF0000  }
0xf: {  	[hbm4b:s8+s3] =	stream.linear.scatter [tilespmem:s6], [sflag:$0x2], $0x10000, $0x38;
	[tilespmem:$0x10800] =	vst v63  }
0x10: {  	s10 =	sor.u32 $0x800, s13;
	_ =	swait.ge [sflag:s4], $0x10000  }
0x11: {  	s9 =	sshrl.u32 s10, $0x3;
	[sflag:s4] =	ssyncset.done $0x0  }
0x12: {  	s9 =	sadd.s32 s15, s9;
	[sflag:s4] =	ssyncadd.s32 $0xFFFF0000  }
0x13: {  	[tilespmem:s3], [sflag:$0x2] =	stream.linear.gather [hbm4b:s9+s3], $0x800, $0x38;
	[tilespmem:$0x10800] =	vst v63  }
0x14: {  	_ =	swait.ge [sflag:s4], $0x800  }
0x15: {  	[sflag:s4] =	ssyncset.done $0x0  }
0x16: {  	[sflag:s4] =	ssyncadd.s32 $0xFFFFF800  }
0x17: {  	[tilespmem:s6], [sflag:$0x1] =	stream.indirect.gather [hbm4b:s2+s6], $0x20, s3, s6, $0xb8;
	[tilespmem:$0x10800] =	vst v63  }
0x18: {  	_ =	swait.ge [sflag:s7], $0x10000  }
0x19: {  	s10 =	sshll.u32 s10, $0x2;
	[sflag:s7] =	ssyncset.done $0x0  }
0x1a: {  	s10 =	sadd.s32 s16, s10;
	[sflag:s7] =	ssyncadd.s32 $0xFFFF0000  }
0x1b: {  	[hbm4b:s10+s3] =	stream.linear.scatter [tilespmem:s6], [sflag:$0x2], $0x10000, $0x38;
	[tilespmem:$0x10800] =	vst v63  }
0x1c: {  	s12 =	sor.u32 $0x1000, s13;
	_ =	swait.ge [sflag:s4], $0x10000  }
0x1d: {  	s11 =	sshrl.u32 s12, $0x3;
	[sflag:s4] =	ssyncset.done $0x0  }
0x1e: {  	s11 =	sadd.s32 s15, s11;
	[sflag:s4] =	ssyncadd.s32 $0xFFFF0000  }
0x1f: {  	[tilespmem:s3], [sflag:$0x2] =	stream.linear.gather [hbm4b:s11+s3], $0x800, $0x38;
	[tilespmem:$0x10800] =	vst v63  }
0x20: {  	_ =	swait.ge [sflag:s4], $0x800  }
0x21: {  	[sflag:s4] =	ssyncset.done $0x0  }
0x22: {  	[sflag:s4] =	ssyncadd.s32 $0xFFFFF800  }
0x23: {  	[tilespmem:s6], [sflag:$0x1] =	stream.indirect.gather [hbm4b:s2+s6], $0x20, s3, s6, $0xb8;
	[tilespmem:$0x10800] =	vst v63  }
0x24: {  	_ =	swait.ge [sflag:s7], $0x10000  }
0x25: {  	s12 =	sshll.u32 s12, $0x2;
	[sflag:s7] =	ssyncset.done $0x0  }
0x26: {  	s12 =	sadd.s32 s16, s12;
	[sflag:s7] =	ssyncadd.s32 $0xFFFF0000  }
0x27: {  	[hbm4b:s12+s3] =	stream.linear.scatter [tilespmem:s6], [sflag:$0x2], $0x10000, $0x38;
	[tilespmem:$0x10800] =	vst v63  }
0x28: {  	s17 =	sor.u32 $0x1800, s13;
	_ =	swait.ge [sflag:s4], $0x10000  }
0x29: {  	s13 =	sshrl.u32 s17, $0x3;
	[sflag:s4] =	ssyncset.done $0x0  }
0x2a: {  	s14 =	ssub.s32 $0x2, s14;
	s13 =	sadd.s32 s15, s13;
	[sflag:s4] =	ssyncadd.s32 $0xFFFF0000  }
0x2b: {  	[tilespmem:s3], [sflag:$0x2] =	stream.linear.gather [hbm4b:s13+s3], $0x800, $0x38;
	[tilespmem:$0x10800] =	vst v63  }
0x2c: {  	s30 =	sshrl.u32 s14, $0x1;
	_ =	swait.ge [sflag:s4], $0x800  }
0x2d: {  	s15 =	ssub.s32 s14, s30;
	[sflag:s4] =	ssyncset.done $0x0  }
0x2e: {  	s15 =	smax.u32 s15, $0x1;
	[sflag:s4] =	ssyncadd.s32 $0xFFFFF800  }
0x2f: {  	[tilespmem:s6], [sflag:$0x1] =	stream.indirect.gather [hbm4b:s2+s6], $0x20, s3, s6, $0xb8;
	[tilespmem:$0x10800] =	vst v63  }
0x30: {  	p0 =	sne.s32 s15, $0x1;
	_ =	swait.ge [sflag:s7], $0x10000  }
.Ltmp0:
0x31: {  	s31 =	sshll.u32 s17, $0x2;
	[sflag:s7] =	ssyncset.done $0x0;
	(pc) =	sbr.rel @!p0 .LBB2_2-.Ltmp0, $4  }
0x32: {  	s14 =	sadd.s32 s16, s31;
	[sflag:s7] =	ssyncadd.s32 $0xFFFF0000  }
0x33: {  	[hbm4b:s14+s3] =	stream.linear.scatter [tilespmem:s6], [sflag:$0x2], $0x10000, $0x38;
	[tilespmem:$0x10800] =	vst v63  }
0x34: {  	_ =	swait.ge [sflag:s4], $0x10000  }
0x35: {  	s15 =	sadd.s32 $0xFFFFFFFF, s15;
	[sflag:s4] =	ssyncset.done $0x0  }
.LBB2_1:
0x36: {  	p0 =	sne.s32 s15, $0x1;
	s15 =	sadd.s32 $0xFFFFFFFF, s15;
	[sflag:s4] =	ssyncadd.s32 $0xFFFF0000  }
0x37: {  	[tilespmem:s3], [sflag:$0x2] =	stream.linear.gather [hbm4b:s5+s3], $0x800, $0x38;
	[tilespmem:$0x10800] =	vst v63  }
0x38: {  	_ =	swait.ge [sflag:s4], $0x800  }
0x39: {  	[sflag:s4] =	ssyncset.done $0x0  }
0x3a: {  	[sflag:s4] =	ssyncadd.s32 $0xFFFFF800  }
0x3b: {  	[tilespmem:s6], [sflag:$0x1] =	stream.indirect.gather [hbm4b:s2+s6], $0x20, s3, s6, $0xb8;
	[tilespmem:$0x10800] =	vst v63  }
0x3c: {  	_ =	swait.ge [sflag:s7], $0x10000  }
0x3d: {  	[sflag:s7] =	ssyncset.done $0x0  }
0x3e: {  	[sflag:s7] =	ssyncadd.s32 $0xFFFF0000  }
0x3f: {  	[hbm4b:s8+s3] =	stream.linear.scatter [tilespmem:s6], [sflag:$0x2], $0x10000, $0x38;
	[tilespmem:$0x10800] =	vst v63  }
0x40: {  	_ =	swait.ge [sflag:s4], $0x10000  }
0x41: {  	[sflag:s4] =	ssyncset.done $0x0  }
0x42: {  	[sflag:s4] =	ssyncadd.s32 $0xFFFF0000  }
0x43: {  	[tilespmem:s3], [sflag:$0x2] =	stream.linear.gather [hbm4b:s9+s3], $0x800, $0x38;
	[tilespmem:$0x10800] =	vst v63  }
0x44: {  	_ =	swait.ge [sflag:s4], $0x800  }
0x45: {  	[sflag:s4] =	ssyncset.done $0x0  }
0x46: {  	[sflag:s4] =	ssyncadd.s32 $0xFFFFF800  }
0x47: {  	[tilespmem:s6], [sflag:$0x1] =	stream.indirect.gather [hbm4b:s2+s6], $0x20, s3, s6, $0xb8;
	[tilespmem:$0x10800] =	vst v63  }
0x48: {  	_ =	swait.ge [sflag:s7], $0x10000  }
0x49: {  	[sflag:s7] =	ssyncset.done $0x0  }
0x4a: {  	[sflag:s7] =	ssyncadd.s32 $0xFFFF0000  }
0x4b: {  	[hbm4b:s10+s3] =	stream.linear.scatter [tilespmem:s6], [sflag:$0x2], $0x10000, $0x38;
	[tilespmem:$0x10800] =	vst v63  }
0x4c: {  	_ =	swait.ge [sflag:s4], $0x10000  }
0x4d: {  	[sflag:s4] =	ssyncset.done $0x0  }
0x4e: {  	[sflag:s4] =	ssyncadd.s32 $0xFFFF0000  }
0x4f: {  	[tilespmem:s3], [sflag:$0x2] =	stream.linear.gather [hbm4b:s11+s3], $0x800, $0x38;
	[tilespmem:$0x10800] =	vst v63  }
0x50: {  	_ =	swait.ge [sflag:s4], $0x800  }
0x51: {  	[sflag:s4] =	ssyncset.done $0x0  }
0x52: {  	[sflag:s4] =	ssyncadd.s32 $0xFFFFF800  }
0x53: {  	[tilespmem:s6], [sflag:$0x1] =	stream.indirect.gather [hbm4b:s2+s6], $0x20, s3, s6, $0xb8;
	[tilespmem:$0x10800] =	vst v63  }
0x54: {  	_ =	swait.ge [sflag:s7], $0x10000  }
0x55: {  	[sflag:s7] =	ssyncset.done $0x0  }
0x56: {  	[sflag:s7] =	ssyncadd.s32 $0xFFFF0000  }
0x57: {  	[hbm4b:s12+s3] =	stream.linear.scatter [tilespmem:s6], [sflag:$0x2], $0x10000, $0x38;
	[tilespmem:$0x10800] =	vst v63  }
0x58: {  	_ =	swait.ge [sflag:s4], $0x10000  }
0x59: {  	[sflag:s4] =	ssyncset.done $0x0  }
0x5a: {  	[sflag:s4] =	ssyncadd.s32 $0xFFFF0000  }
0x5b: {  	[tilespmem:s3], [sflag:$0x2] =	stream.linear.gather [hbm4b:s13+s3], $0x800, $0x38;
	[tilespmem:$0x10800] =	vst v63  }
0x5c: {  	_ =	swait.ge [sflag:s4], $0x800  }
0x5d: {  	[sflag:s4] =	ssyncset.done $0x0  }
0x5e: {  	[sflag:s4] =	ssyncadd.s32 $0xFFFFF800  }
0x5f: {  	[tilespmem:s6], [sflag:$0x1] =	stream.indirect.gather [hbm4b:s2+s6], $0x20, s3, s6, $0xb8;
	[tilespmem:$0x10800] =	vst v63  }
0x60: {  	_ =	swait.ge [sflag:s7], $0x10000  }
.Ltmp1:
0x61: {  	[sflag:s7] =	ssyncset.done $0x0;
	(pc) =	sbr.rel @p0 .LBB2_1-.Ltmp1, $4  }
0x62: {  	[sflag:s7] =	ssyncadd.s32 $0xFFFF0000  }
0x63: {  	[hbm4b:s14+s3] =	stream.linear.scatter [tilespmem:s6], [sflag:$0x2], $0x10000, $0x38;
	[tilespmem:$0x10800] =	vst v63  }
0x64: {  	_ =	swait.ge [sflag:s4], $0x10000  }
0x65: {  	[sflag:s4] =	ssyncset.done $0x0  }
.LBB2_2:
0x66: {  	[sflag:s4] =	ssyncadd.s32 $0xFFFF0000  }
0x67: {  	_ =	sfence.sel $0x180000  }
0x68: {  	[bflag:$0x0] =	sbarrier.arrive $0xFFFF  }
0x69: {  	p0 =	sne.s32 s0, $0x0;
	_ =	strace $0x9000004A  }
0x6a: {  	s0 =	sadd.s32 @!p0 $0x100000, s1;
	[bflag:$0x2] =	sbarrier.arrive $0xFFFF  }
0x6b: {  	[sflag:s0] =	ssyncadd.tile.s32 @!p0 $0x1;
	_ =	shalt  }
.Lfunc_end2:
_tile_overlayer_lowered:
.L_overlay_start_2:
0x6c: {  	(tag) =	ssettag $0x2  }
0x6d: {  	s0 =	rddreg [dreg:$0x0];
	s2 =	stileid.u32  }
0x6e: {  	s1 =	rddreg [dreg:$0x1];
	p0 =	sne.s32 s2, $0x0  }
0x6f: {  	s3 =	rddreg [dreg:$0x2];
	[bflag:$0x3] =	sbarrier.arrive $0xFFFF;
	s2 =	simm.s32 @!p0 $0x1C02  }
0x70: {  	[timem:s3], [sflag:s2] =	dma.local @!p0 [hbm:s0], s1  }
0x71: {  	s0 =	simm.s32 @!p0 $0x2  }
0x72: {  	_ =	swait.ge @!p0 [sflag:s0], s1  }
0x73: {  	s1 =	ssub.s32 @!p0 $0x0, s1;
	[sflag:s0] =	ssyncset.done @!p0 $0x0  }
0x74: {  	[sflag:s0] =	ssyncadd.s32 @!p0 s1  }
0x75: {  	[bflag:$0x3] =	sbarrier.arrive $0xFFFF  }
0x76: {  	_ =	shalt  }

// kernel: kernel.9.cloned.1.call-start
scs
__scs_entry_jumppad:
0x0: {  	(pc) =	sbr.rel $0x88, $3  }
0x1: {  	(tag) =	ssettag $0x0;
	lr =	simm.s32 $0x1  }
0x2: {  	[smem:$0x3F88] =	sst lr;
	_ =	strace $0xD0000000  }
0x3: {  	_ = 	snop  }
0x4: {  	_ = 	snop  }
0x5: {  	_ = 	snop  }
0x6: {  	_ = 	snop  }
0x7: {  	_ = 	snop  }
__scs_overlays_trampoline_lowered:
0x8: {  	[smem:$0x3F97] =	sst s0  }
0x9: {  	[smem:$0x3F98] =	sst s1  }
0xa: {  	[smem:$0x3F99] =	sst s2  }
0xb: {  	[smem:$0x3F9A] =	sst s3  }
0xc: {  	[smem:$0x3F9B] =	sst s4  }
0xd: {  	[smem:$0x3F9C] =	sst s5  }
0xe: {  	[smem:$0x3F9D] =	sst s6  }
0xf: {  	[smem:$0x3F9E] =	sst s7  }
0x10: {  	[smem:$0x3F9F] =	sst s8  }
0x11: {  	[smem:$0x3FA0] =	sst s9;
	s0 =	simm.s32 @!p0 $0x0  }
0x12: {  	s1 =	sld [smem:$0x3F86];
	s0 =	simm.s32 @p0 $0x1  }
0x13: {  	[smem:$0x3FA1] =	sst s0;
	s0 =	simm.s32 @!p1 $0x0  }
0x14: {  	s2 =	sld [smem:$0x3F85];
	s0 =	simm.s32 @p1 $0x1  }
0x15: {  	[smem:$0x3FA2] =	sst s0;
	s0 =	simm.s32 @!p2 $0x0  }
0x16: {  	s3 =	sld [smem:$0x3FDB];
	s0 =	simm.s32 @p2 $0x1  }
0x17: {  	s4 =	simm.s32 $0x1BF5;
	[smem:$0x3FA4] =	sst s0  }
0x18: {  	s0 =	sld [smem:$0x3F87];
	_ =	swait.ge [sflag:s4], $0x0  }
0x19: {  	s7 =	sld [smem:$0x3F88]  }
0x1a: {  	s8 =	sadd.s32 $0xFFFFE003, lr  }
0x1b: {  	s9 =	sadd.s32 $0xFFFFFEF7, lr;
	s5 =	simm.s32 $0xFFFFFFFF;
	p2 =	slt.u32 s8, $0xFFFFF086  }
0x1c: {  	p1 =	slt.u32 s9, $0xF7A;
	s5 =	simm.s32 @!p2 $0x0  }
0x1d: {  	s5 =	simm.s32 @p1 $0x1;
	p0 =	seq.s32 s7, s2  }
0x1e: {  	s7 =	smul.u32 @!p0 $0xF7A, s2;
	p2 =	seq.s32 @!p0 s5, $0x0  }
0x1f: {  	s9 =	smul.u32 $0xF7A, s1;
	s8 =	simm.s32 @!p0 $0x1BF5;
	p2 =	por !p2, p0  }
0x20: {  	[sflag:s8] =	ssyncset.s32 @!p0 $0xFFFFF086;
	s6 =	sadd.s32 @!p0 s3, s7;
	s7 =	simm.s32 @!p0 $0x108  }
0x21: {  	s3 =	sadd.s32 s3, s9;
	s6 =	sadd.s32 @!p0 $0x88, s6;
	s7 =	simm.s32 @p2 $0x1082  }
0x22: {  	[simem:s7], [sflag:s8] =	dma.local @!p0 [hbm:s6], $0xF7A  }
0x23: {  	s9 =	sor.u32 $0xD0000000, s2;
	s6 =	simm.s32 $0x108;
	_ =	swait.ge @!p0 [sflag:s8], $0x0  }
0x24: {  	s3 =	sadd.s32 $0x88, s3;
	s6 =	simm.s32 @!p1 $0x1082;
	[sflag:s4] =	ssyncset.s32 $0xFFFFF086  }
0x25: {  	[simem:s6], [sflag:s4] =	dma.local [hbm:s3], $0xF7A  }
0x26: {  	[smem:$0x3F88] =	sst s1;
	(tag) =	ssettag s2;
	_ =	strace s9  }
0x27: {  	s1 =	sld [smem:$0x3F98]  }
0x28: {  	s2 =	sld [smem:$0x3F99]  }
0x29: {  	s4 =	sld [smem:$0x3F9B]  }
0x2a: {  	p0 =	seq.s32 s5, $0x0;
	s5 =	sld [smem:$0x3F9C]  }
0x2b: {  	s6 =	sld [smem:$0x3F9D]  }
0x2c: {  	s7 =	sld [smem:$0x3F9E]  }
0x2d: {  	s3 =	simm.s32 $0x108;
	s8 =	sld [smem:$0x3F9F]  }
0x2e: {  	s3 =	simm.s32 @!p0 $0x1082;
	s9 =	sld [smem:$0x3FA0]  }
0x2f: {  	lr =	sadd.s32 s0, s3;
	s0 =	sld [smem:$0x3F97]  }
0x30: {  	s3 =	sld [smem:$0x3F9A]  }
0x31: {  	[smem:$0x3FA3] =	sst s10  }
0x32: {  	s10 =	sld [smem:$0x3FA1];
	_ =	sdelay $0x3  }
0x33: {  	p0 =	seq.s32 s10, $0x1;
	s10 =	sld [smem:$0x3FA3];
	_ =	sdelay $0x3  }
0x34: {  	[smem:$0x3FA3] =	sst s10  }
0x35: {  	s10 =	sld [smem:$0x3FA2];
	_ =	sdelay $0x3  }
0x36: {  	p1 =	seq.s32 s10, $0x1;
	s10 =	sld [smem:$0x3FA3];
	_ =	sdelay $0x3  }
0x37: {  	[smem:$0x3FA3] =	sst s10  }
0x38: {  	s10 =	sld [smem:$0x3FA4]  }
0x39: {  	_ = 	snop;
	(pc) =	sbr.ind lr, $3  }
0x3a: {  	_ = 	snop  }
0x3b: {  	_ = 	snop  }
0x3c: {  	p2 =	seq.s32 s10, $0x1;
	s10 =	sld [smem:$0x3FA3]  }
0x3d: {  	_ =	shalt  }
0x3e: {  	_ =	shalt  }
0x3f: {  	_ =	shalt  }
0x40: {  	_ =	shalt  }
0x41: {  	_ =	shalt  }
0x42: {  	_ =	shalt  }
0x43: {  	_ =	shalt  }
0x44: {  	_ =	shalt  }
0x45: {  	_ =	shalt  }
0x46: {  	_ =	shalt  }
0x47: {  	_ =	shalt  }
0x48: {  	_ =	shalt  }
0x49: {  	_ =	shalt  }
0x4a: {  	_ =	shalt  }
0x4b: {  	_ =	shalt  }
0x4c: {  	_ =	shalt  }
0x4d: {  	_ =	shalt  }
0x4e: {  	_ =	shalt  }
0x4f: {  	_ =	shalt  }
0x50: {  	_ =	shalt  }
0x51: {  	_ =	shalt  }
0x52: {  	_ =	shalt  }
0x53: {  	_ =	shalt  }
0x54: {  	_ =	shalt  }
0x55: {  	_ =	shalt  }
0x56: {  	_ =	shalt  }
0x57: {  	_ =	shalt  }
0x58: {  	_ =	shalt  }
0x59: {  	_ =	shalt  }
0x5a: {  	_ =	shalt  }
0x5b: {  	_ =	shalt  }
0x5c: {  	_ =	shalt  }
0x5d: {  	_ =	shalt  }
0x5e: {  	_ =	shalt  }
0x5f: {  	_ =	shalt  }
0x60: {  	_ =	shalt  }
0x61: {  	_ =	shalt  }
0x62: {  	_ =	shalt  }
0x63: {  	_ =	shalt  }
0x64: {  	_ =	shalt  }
0x65: {  	_ =	shalt  }
0x66: {  	_ =	shalt  }
0x67: {  	_ =	shalt  }
0x68: {  	_ =	shalt  }
0x69: {  	_ =	shalt  }
0x6a: {  	_ =	shalt  }
0x6b: {  	_ =	shalt  }
0x6c: {  	_ =	shalt  }
0x6d: {  	_ =	shalt  }
0x6e: {  	_ =	shalt  }
0x6f: {  	_ =	shalt  }
0x70: {  	_ =	shalt  }
0x71: {  	_ =	shalt  }
0x72: {  	_ =	shalt  }
0x73: {  	_ =	shalt  }
0x74: {  	_ =	shalt  }
0x75: {  	_ =	shalt  }
0x76: {  	_ =	shalt  }
0x77: {  	_ =	shalt  }
0x78: {  	_ =	shalt  }
0x79: {  	_ =	shalt  }
0x7a: {  	_ =	shalt  }
0x7b: {  	_ =	shalt  }
0x7c: {  	_ =	shalt  }
0x7d: {  	_ =	shalt  }
0x7e: {  	_ =	shalt  }
0x7f: {  	_ =	shalt  }
0x80: {  	_ =	shalt  }
0x81: {  	_ =	shalt  }
0x82: {  	_ =	shalt  }
0x83: {  	_ =	shalt  }
0x84: {  	_ =	shalt  }
0x85: {  	_ =	shalt  }
0x86: {  	_ =	shalt  }
0x87: {  	_ =	shalt  }
.Lfunc_end0:
.L_simem_size_0:
called_computation_lowered:
.L_overlay_start_0:
0x88: {  	s2 =	sld [smem:$0x3FD9]  }
0x89: {  	s3 =	sld [smem:$0x3FFE];
	_ =	sdelay $0x1  }
0x8a: {  	s1 =	srdreg.scid  }
0x8b: {  	s0 =	sand.u32 $0x1, s1  }
0x8c: {  	s17 =	sshll.u32 s0, $0xA;
	s2 =	sadd.s32 s3, s2  }
0x8d: {  	s2 =	sadd.s32 s2, s17  }
0x8e: {  	[smem:$0x3FAF] =	sst s2  }
0x8f: {  	_ = 	snop  }
0x90: {  	s2 =	sld [smem:$0x3FD0];
	(tm) =	ssettm $0x1  }
0x91: {  	s18 =	sld [smem:$0x3FFB];
	_ =	sdelay $0x3  }
0x92: {  	_ =	strace s18  }
0x93: {  	s3 =	sld [smem:$0x3FFC];
	_ =	sdelay $0x3  }
0x94: {  	_ =	strace s3  }
0x95: {  	s3 =	sld [smem:$0x3FFD];
	_ =	sdelay $0x3  }
0x96: {  	_ =	strace s3  }
0x97: {  	_ =	strace $0x8FFFFFFF  }
0x98: {  	s19 =	sld [smem:$0x3FDB];
	_ =	sdelay $0x1  }
0x99: {  	s4 =	simm.s32 $_scs_section_size  }
0x9a: {  	s5 =	simm.s32 $_size__tile_overlayer_lowered;
	s6 =	simm.s32 $_tile_overlayer_lowered  }
0x9b: {  	s22 =	simm.s32 $0x1BFF;
	s21 =	sshll.u32 s6, $0x1;
	s3 =	sadd.s32 s4, s19  }
0x9c: {  	s7 =	simm.s32 $0x0;
	s20 =	sshll.u32 s5, $0x1;
	s5 =	sadd.s32 s21, s3  }
0x9d: {  	[timem:s7], [sflag:s22] =	dma.local [hbm:s5], s20  }
0x9e: {  	_ =	swait.ge [sflag:s22], s20  }
0x9f: {  	s4 =	ssub.s32 $0x0, s20;
	[sflag:s22] =	ssyncset.done $0x0  }
0xa0: {  	[sflag:s22] =	ssyncadd.s32 s4;
	_ =	sdelay $0x1  }
0xa1: {  	s23 =	simm.s32 $0x1B8B  }
0xa2: {  	_ =	swait.ge [sflag:s23], $0x1  }
0xa3: {  	[sflag:s23] =	ssyncset.done $0x0  }
0xa4: {  	s25 =	simm.s32 $0x1B8E;
	s24 =	sld [smem:$0x3FFE];
	[sflag:s23] =	ssyncadd.s32 $0xFFFFFFFF  }
0xa5: {  	s26 =	simm.s32 $execute0_lowered;
	[smem:$0x3FD2] =	sst s25  }
0xa6: {  	s5 =	sshll.u32 s26, $0x1;
	_ =	strace $0x80000046;
	[dreg:$0x1] =	wrdreg $0xFFFFFFFF  }
0xa7: {  	s28 =	simm.s32 $_size_execute0_lowered;
	s3 =	sadd.s32 s3, s5;
	[dreg:$0x0] =	wrdreg $0x0  }
0xa8: {  	s5 =	sshll.u32 s28, $0x1;
	[dreg:$0x2] =	wrdreg s3  }
0xa9: {  	[dreg:$0x3] =	wrdreg s5  }
0xaa: {  	[dreg:$0x4] =	wrdreg $0xC0  }
0xab: {  	_ =	task [dreg:s7], $0x5FFFF  }
0xac: {  	[dreg:$0x1] =	wrdreg $0xFFFFFFFF  }
0xad: {  	[dreg:$0x0] =	wrdreg $0x60  }
0xae: {  	[dreg:$0x2] =	wrdreg s24  }
0xaf: {  	[dreg:$0x3] =	wrdreg s2  }
0xb0: {  	[dreg:$0x4] =	wrdreg $0x9  }
0xb1: {  	_ =	task.clear_ibuf [dreg:s7], $0x5FFFF;
	_ =	strace $0x90000046  }
0xb2: {  	s29 =	simm.s32 $0x9;
	_ =	strace $0x80000048  }
0xb3: {  	_ =	swait.ge [sflag:s29], $0x1  }
0xb4: {  	[sflag:s29] =	ssyncadd.s32 $0xFFFFFFFF  }
0xb5: {  	_ =	strace $0x90000048  }
0xb6: {  	_ =	sfence  }
0xb7: {  	s30 =	sld [smem:$0x0];
	_ =	sdelay $0x2  }
0xb8: {  	s31 =	sshll.u32 s1, $0xD;
	s1 =	sshrl.u32 s1, $0x2  }
0xb9: {  	s3 =	sand.u32 $0x4000, s31;
	s1 =	sadd.s32 s1, s30  }
0xba: {  	s0 =	sor.u32 s3, s0;
	s1 =	sshll.u32 s1, $0x11  }
0xbb: {  	s0 =	sor.u32 s1, s0  }
0xbc: {  	s0 =	sadd.s32 $0x8F2B, s0  }
0xbd: {  	[sflag:s0] =	ssyncadd.remote.s32 $0x1  }
0xbe: {  	_ =	sfence.sel $0xFFFF  }
0xbf: {  	[dreg:$0x0] =	wrdreg $0xFFFFFFFF;
	(pc) =	sbr.abs _section_cstart, $3  }
0xc0: {  	[dreg:$0x1] =	wrdreg $0xFFFFFFFF  }
0xc1: {  	_ =	task.clear_ibuf [dreg:s7], $0x2FFFF;
	_ =	strace $0x9FFFFFFF  }
0xc2: {  	(tm) =	ssettm $0x7FFFFFFF  }
0xc3: {  	_ =	shalt  }
tec
execute0_lowered:
.L_overlay_start_1:
0x0: {  	(tag) =	ssettag $0x1  }
0x1: {  	s1 =	srdreg.scid  }
0x2: {  	s13 =	rddreg [dreg:$0x0];
	s0 =	stileid.u32;
	s14 =	sand.u32 $0x1, s1  }
0x3: {  	s3 =	rddreg [dreg:$0x1];
	s4 =	sshll.u32 s0, $0xE;
	s5 =	sshll.u32 s14, $0xD  }
0x4: {  	s2 =	simm.s32 $0x0;
	s1 =	rddreg [dreg:$0x2];
	s8 =	sor.u32 s5, s4  }
0x5: {  	[smem:$0x7FF] =	sst s2;
	s9 =	sshrl.u32 s8, $0x3  }
0x6: {  	_ =	strace $0x80000047;
	s4 =	sadd.s32 s3, s9;
	s3 =	simm.s32 $0x2  }
0x7: {  	[tilespmem:s2], [sflag:$0x2] =	stream.linear.gather [hbm4b:s4+s2], $0x2000, $0x38;
	[tilespmem:$0x12000] =	vst v63  }
0x8: {  	_ =	swait.ge [sflag:s3], $0x2000  }
0x9: {  	s6 =	simm.s32 $0x2000;
	[sflag:s3] =	ssyncset.done $0x0  }
0xa: {  	s7 =	simm.s32 $0x1;
	s5 =	sadd.s32 $0x60C00, s13;
	[sflag:s3] =	ssyncadd.s32 $0xFFFFE000  }
0xb: {  	[tilespmem:s6], [sflag:$0x1] =	stream.indirect.gather [hbm4b:s5+s6], $0x4, s2, s6, $0xb8;
	[tilespmem:$0x12000] =	vst v63  }
0xc: {  	_ =	swait.ge [sflag:s7], $0x8000  }
0xd: {  	s15 =	sadd.s32 s8, s13;
	[sflag:s7] =	ssyncset.done $0x0  }
0xe: {  	s8 =	sadd.s32 $0x61C00, s15;
	[sflag:s7] =	ssyncadd.s32 $0xFFFF8000  }
0xf: {  	[hbm4b:s8+s2] =	stream.linear.scatter [tilespmem:s6], [sflag:$0x2], $0x10000, $0x38;
	[tilespmem:$0x12000] =	vst v63  }
0x10: {  	_ =	swait.ge [sflag:s3], $0x10000  }
0x11: {  	s12 =	sadd.s32 s9, s13;
	[sflag:s3] =	ssyncset.done $0x0  }
0x12: {  	s9 =	sadd.s32 $0x54C00, s12;
	[sflag:s3] =	ssyncadd.s32 $0xFFFF0000  }
0x13: {  	[tilespmem:s2], [sflag:$0x2] =	stream.linear.gather [hbm4b:s9+s2], $0x2000, $0x38;
	[tilespmem:$0x12000] =	vst v63  }
0x14: {  	_ =	swait.ge [sflag:s3], $0x2000  }
0x15: {  	[sflag:s3] =	ssyncset.done $0x0  }
0x16: {  	s10 =	sadd.s32 $0x5CC00, s13;
	[sflag:s3] =	ssyncadd.s32 $0xFFFFE000  }
0x17: {  	[tilespmem:s6], [sflag:$0x1] =	stream.indirect.gather [hbm4b:s10+s6], $0x4, s2, s6, $0xb8;
	[tilespmem:$0x12000] =	vst v63  }
0x18: {  	_ =	swait.ge [sflag:s7], $0x8000  }
0x19: {  	[sflag:s7] =	ssyncset.done $0x0  }
0x1a: {  	s11 =	sadd.s32 $0xA1C00, s15;
	[sflag:s7] =	ssyncadd.s32 $0xFFFF8000  }
0x1b: {  	[hbm4b:s11+s2] =	stream.linear.scatter [tilespmem:s6], [sflag:$0x2], $0x10000, $0x38;
	[tilespmem:$0x12000] =	vst v63  }
0x1c: {  	_ =	swait.ge [sflag:s3], $0x10000  }
0x1d: {  	[sflag:s3] =	ssyncset.done $0x0  }
0x1e: {  	s14 =	ssub.s32 $0x2, s14;
	s12 =	sadd.s32 $0x4CC00, s12;
	[sflag:s3] =	ssyncadd.s32 $0xFFFF0000  }
0x1f: {  	[tilespmem:s2], [sflag:$0x2] =	stream.linear.gather [hbm4b:s12+s2], $0x2000, $0x38;
	[tilespmem:$0x12000] =	vst v63  }
0x20: {  	s16 =	sshrl.u32 s14, $0x1;
	_ =	swait.ge [sflag:s3], $0x2000  }
0x21: {  	s16 =	ssub.s32 s14, s16;
	[sflag:s3] =	ssyncset.done $0x0  }
0x22: {  	s13 =	sadd.s32 $0x48C00, s13;
	s31 =	smax.u32 s16, $0x1;
	[sflag:s3] =	ssyncadd.s32 $0xFFFFE000  }
0x23: {  	[tilespmem:s6], [sflag:$0x1] =	stream.indirect.gather [hbm4b:s13+s6], $0x4, s2, s6, $0xb8;
	[tilespmem:$0x12000] =	vst v63  }
0x24: {  	p0 =	sne.s32 s31, $0x1;
	_ =	swait.ge [sflag:s7], $0x8000  }
.Ltmp0:
0x25: {  	[sflag:s7] =	ssyncset.done $0x0;
	(pc) =	sbr.rel @!p0 .LBB2_2-.Ltmp0, $4  }
0x26: {  	s14 =	sadd.s32 $0xE1C00, s15;
	[sflag:s7] =	ssyncadd.s32 $0xFFFF8000  }
0x27: {  	[hbm4b:s14+s2] =	stream.linear.scatter [tilespmem:s6], [sflag:$0x2], $0x10000, $0x38;
	[tilespmem:$0x12000] =	vst v63  }
0x28: {  	_ =	swait.ge [sflag:s3], $0x10000  }
0x29: {  	s15 =	sadd.s32 $0xFFFFFFFF, s31;
	[sflag:s3] =	ssyncset.done $0x0  }
.LBB2_1:
0x2a: {  	p0 =	sne.s32 s15, $0x1;
	s15 =	sadd.s32 $0xFFFFFFFF, s15;
	[sflag:s3] =	ssyncadd.s32 $0xFFFF0000  }
0x2b: {  	[tilespmem:s2], [sflag:$0x2] =	stream.linear.gather [hbm4b:s4+s2], $0x2000, $0x38;
	[tilespmem:$0x12000] =	vst v63  }
0x2c: {  	_ =	swait.ge [sflag:s3], $0x2000  }
0x2d: {  	[sflag:s3] =	ssyncset.done $0x0  }
0x2e: {  	[sflag:s3] =	ssyncadd.s32 $0xFFFFE000  }
0x2f: {  	[tilespmem:s6], [sflag:$0x1] =	stream.indirect.gather [hbm4b:s5+s6], $0x4, s2, s6, $0xb8;
	[tilespmem:$0x12000] =	vst v63  }
0x30: {  	_ =	swait.ge [sflag:s7], $0x8000  }
0x31: {  	[sflag:s7] =	ssyncset.done $0x0  }
0x32: {  	[sflag:s7] =	ssyncadd.s32 $0xFFFF8000  }
0x33: {  	[hbm4b:s8+s2] =	stream.linear.scatter [tilespmem:s6], [sflag:$0x2], $0x10000, $0x38;
	[tilespmem:$0x12000] =	vst v63  }
0x34: {  	_ =	swait.ge [sflag:s3], $0x10000  }
0x35: {  	[sflag:s3] =	ssyncset.done $0x0  }
0x36: {  	[sflag:s3] =	ssyncadd.s32 $0xFFFF0000  }
0x37: {  	[tilespmem:s2], [sflag:$0x2] =	stream.linear.gather [hbm4b:s9+s2], $0x2000, $0x38;
	[tilespmem:$0x12000] =	vst v63  }
0x38: {  	_ =	swait.ge [sflag:s3], $0x2000  }
0x39: {  	[sflag:s3] =	ssyncset.done $0x0  }
0x3a: {  	[sflag:s3] =	ssyncadd.s32 $0xFFFFE000  }
0x3b: {  	[tilespmem:s6], [sflag:$0x1] =	stream.indirect.gather [hbm4b:s10+s6], $0x4, s2, s6, $0xb8;
	[tilespmem:$0x12000] =	vst v63  }
0x3c: {  	_ =	swait.ge [sflag:s7], $0x8000  }
0x3d: {  	[sflag:s7] =	ssyncset.done $0x0  }
0x3e: {  	[sflag:s7] =	ssyncadd.s32 $0xFFFF8000  }
0x3f: {  	[hbm4b:s11+s2] =	stream.linear.scatter [tilespmem:s6], [sflag:$0x2], $0x10000, $0x38;
	[tilespmem:$0x12000] =	vst v63  }
0x40: {  	_ =	swait.ge [sflag:s3], $0x10000  }
0x41: {  	[sflag:s3] =	ssyncset.done $0x0  }
0x42: {  	[sflag:s3] =	ssyncadd.s32 $0xFFFF0000  }
0x43: {  	[tilespmem:s2], [sflag:$0x2] =	stream.linear.gather [hbm4b:s12+s2], $0x2000, $0x38;
	[tilespmem:$0x12000] =	vst v63  }
0x44: {  	_ =	swait.ge [sflag:s3], $0x2000  }
0x45: {  	[sflag:s3] =	ssyncset.done $0x0  }
0x46: {  	[sflag:s3] =	ssyncadd.s32 $0xFFFFE000  }
0x47: {  	[tilespmem:s6], [sflag:$0x1] =	stream.indirect.gather [hbm4b:s13+s6], $0x4, s2, s6, $0xb8;
	[tilespmem:$0x12000] =	vst v63  }
0x48: {  	_ =	swait.ge [sflag:s7], $0x8000  }
.Ltmp1:
0x49: {  	[sflag:s7] =	ssyncset.done $0x0;
	(pc) =	sbr.rel @p0 .LBB2_1-.Ltmp1, $4  }
0x4a: {  	[sflag:s7] =	ssyncadd.s32 $0xFFFF8000  }
0x4b: {  	[hbm4b:s14+s2] =	stream.linear.scatter [tilespmem:s6], [sflag:$0x2], $0x10000, $0x38;
	[tilespmem:$0x12000] =	vst v63  }
0x4c: {  	_ =	swait.ge [sflag:s3], $0x10000  }
0x4d: {  	[sflag:s3] =	ssyncset.done $0x0  }
.LBB2_2:
0x4e: {  	[sflag:s3] =	ssyncadd.s32 $0xFFFF0000  }
0x4f: {  	_ =	sfence.sel $0x180000  }
0x50: {  	[bflag:$0x0] =	sbarrier.arrive $0xFFFF  }
0x51: {  	p0 =	sne.s32 s0, $0x0;
	_ =	strace $0x90000047  }
0x52: {  	s0 =	sadd.s32 @!p0 $0x100000, s1;
	[bflag:$0x2] =	sbarrier.arrive $0xFFFF  }
0x53: {  	[sflag:s0] =	ssyncadd.tile.s32 @!p0 $0x1;
	_ =	shalt  }
.Lfunc_end2:
_tile_overlayer_lowered:
.L_overlay_start_2:
0x54: {  	(tag) =	ssettag $0x2  }
0x55: {  	s0 =	rddreg [dreg:$0x0];
	s2 =	stileid.u32  }
0x56: {  	s1 =	rddreg [dreg:$0x1];
	p0 =	sne.s32 s2, $0x0  }
0x57: {  	s3 =	rddreg [dreg:$0x2];
	[bflag:$0x3] =	sbarrier.arrive $0xFFFF;
	s2 =	simm.s32 @!p0 $0x1C02  }
0x58: {  	[timem:s3], [sflag:s2] =	dma.local @!p0 [hbm:s0], s1  }
0x59: {  	s0 =	simm.s32 @!p0 $0x2  }
0x5a: {  	_ =	swait.ge @!p0 [sflag:s0], s1  }
0x5b: {  	s1 =	ssub.s32 @!p0 $0x0, s1;
	[sflag:s0] =	ssyncset.done @!p0 $0x0  }
0x5c: {  	[sflag:s0] =	ssyncadd.s32 @!p0 s1  }
0x5d: {  	[bflag:$0x3] =	sbarrier.arrive $0xFFFF  }
0x5e: {  	_ =	shalt  }

</sc_bundles>
